<compile_context>
chip_gen: v7x
topology: tpu7x:2x2x1
jax: 0.10.2.dev20260603
libtpu: 0.0.44.dev20260713+nightly
codegen_flags: <defaults>
</compile_context>

<pallas_src>
import functools

import jax
import jax.numpy as jnp
from jax import lax
from jax.experimental import pallas as pl
from jax.experimental.pallas import tpu as pltpu
from jax.experimental.pallas import tpu_sc as plsc

NC = 2
NS = 16
NW = NC * NS
LANES = 16
CHUNK = 2000
NBUF = 4


@functools.partial(jax.jit, static_argnames=("n_pad",))
def _hop(h, edges_flat, n_pad):
  n = h.shape[0]
  e_tot = edges_flat.shape[0] // 2
  ew = e_tot // NW
  n_chunks = ew // CHUNK
  n_quads = n_chunks // NBUF
  s_sl = n_pad // NS

  mesh = plsc.VectorSubcoreMesh(core_axis_name="c", subcore_axis_name="s")

  @functools.partial(
      pl.kernel,
      out_type=jax.ShapeDtypeStruct((NC * n_pad,), jnp.float32),
      mesh=mesh,
      compiler_params=pltpu.CompilerParams(needs_layout_passes=False),
      scratch_types=[
          pltpu.VMEM((n,), jnp.float32),
          pltpu.VMEM_SHARED((n_pad,), jnp.float32),
          [pltpu.VMEM((CHUNK,), jnp.int32) for _ in range(NBUF)],
          [pltpu.VMEM((CHUNK,), jnp.int32) for _ in range(NBUF)],
          [pltpu.VMEM((CHUNK,), jnp.float32) for _ in range(NBUF)],
          [pltpu.SemaphoreType.DMA for _ in range(NBUF)],
          [pltpu.SemaphoreType.DMA for _ in range(NBUF)],
          pltpu.SemaphoreType.DMA,
      ],
  )
  def hop_kernel(h_hbm, edges_hbm, out_hbm, h_loc, acc_sh,
                 srcb, dstb, valb, ld, st, ldh):
    c = lax.axis_index("c")
    s = lax.axis_index("s")
    wid = s * NC + c
    base_n = s * s_sl
    base_e = wid * ew

    def _issue_ld(g, b):
      off = base_e + lax.rem(g, n_chunks) * CHUNK
      pltpu.async_copy(edges_hbm.at[pl.ds(off, CHUNK)], srcb[b], ld[b])
      pltpu.async_copy(edges_hbm.at[pl.ds(e_tot + off, CHUNK)], dstb[b], ld[b])

    def _wait_ld(b):
      pltpu.make_async_copy(edges_hbm.at[pl.ds(0, CHUNK)], srcb[b],
                            ld[b]).wait()
      pltpu.make_async_copy(edges_hbm.at[pl.ds(0, CHUNK)], dstb[b],
                            ld[b]).wait()

    def _issue_st(b):
      pltpu.async_copy(valb[b], acc_sh.at[dstb[b]], st[b], add=True)

    def _wait_st(b):
      pltpu.make_async_copy(valb[b], acc_sh.at[dstb[b]], st[b]).wait()

    def _gather(b):
      def body(i, carry):
        idx = srcb[b][pl.ds(i * LANES, LANES)]
        valb[b][pl.ds(i * LANES, LANES)] = plsc.load_gather(h_loc, [idx])
        return carry
      lax.fori_loop(0, CHUNK // LANES, body, 0)

    _issue_ld(0, 0)
    _issue_ld(1, 1)
    h_cp = pltpu.async_copy(h_hbm, h_loc, ldh)

    def _zero(i, carry):
      valb[0][pl.ds(i * LANES, LANES)] = jnp.zeros((LANES,), jnp.float32)
      return carry
    lax.fori_loop(0, CHUNK // LANES, _zero, 0)
    off = 0
    while off < s_sl:
      piece = min(CHUNK, s_sl - off)
      pltpu.sync_copy(valb[0].at[pl.ds(0, piece)],
                      acc_sh.at[pl.ds(base_n + off, piece)])
      off += piece
    plsc.subcore_barrier()
    h_cp.wait()

    for g in range(NBUF):
      b = g % NBUF
      _wait_ld(b)
      if g >= 2:
        _wait_st((g + 2) % NBUF)
      _issue_ld(g + 2, (g + 2) % NBUF)
      _gather(b)
      _issue_st(b)

    def _quad(q, carry):
      g0 = q * NBUF
      for b in range(NBUF):
        g = g0 + b
        _wait_ld(b)
        _wait_st((b + 2) % NBUF)
        _issue_ld(g + 2, (b + 2) % NBUF)
        _gather(b)
        _issue_st(b)
      return carry
    lax.fori_loop(1, n_quads, _quad, 0)

    _wait_ld(0)
    _wait_ld(1)
    _wait_st(2)
    _wait_st(3)
    plsc.subcore_barrier()

    off = 0
    while off < s_sl:
      piece = min(CHUNK, s_sl - off)
      pltpu.sync_copy(acc_sh.at[pl.ds(base_n + off, piece)],
                      valb[0].at[pl.ds(0, piece)])
      pltpu.sync_copy(valb[0].at[pl.ds(0, piece)],
                      out_hbm.at[pl.ds(c * n_pad + base_n + off, piece)])
      off += piece

  return hop_kernel(h, edges_flat)


def kernel(x, edge_index, W_self, W_neigh):
  n, d = x.shape
  num_hop = W_self.shape[0]
  assert d == 1

  n_pad = -(-(n + 1) // (NS * 8)) * (NS * 8)

  e = edge_index.shape[1]
  e_pad = -(-e // (NW * NBUF * CHUNK)) * (NW * NBUF * CHUNK)
  if e_pad != e:
    pad = jnp.zeros((2, e_pad - e), jnp.int32).at[1, :].set(n)
    edge_index = jnp.concatenate([edge_index, pad], axis=1)
  edges_flat = edge_index.reshape(-1)

  h = x[:, 0]
  for i in range(num_hop):
    parts = _hop(h, edges_flat, n_pad)
    acc = parts[:n] + parts[n_pad:n_pad + n]
    h = W_self[i, 0, 0] * h + W_neigh[i, 0, 0] * acc
  return h[:, None]

# --- scband reference (transcript-rebuilt; emitter-appended) ---
"""Pipeline reference for scband-simple-agg-53283364274398 (READ-ONLY COPY).

The authoritative reference and input builder live on the scoring server;
editing this copy changes nothing except your own understanding.
"""

import jax, jax.numpy as jnp
import numpy as np

N = 100000
E = 6400000
D = 1
NUM_HOP = 2

def setup_inputs(seed: int = 0) -> dict:
    key = jax.random.key(seed)
    k1, k2, k3 = jax.random.split(key, 3)
    x = jax.random.normal(k1, (N, D), dtype=jnp.float32)
    edge_index = jax.random.randint(k2, (2, E), 0, N, dtype=jnp.int32)
    # fc_self weight per layer: default Linear init (random); fc_neigh weight reset to ones
    W_self = jax.random.normal(k3, (NUM_HOP, D, D), dtype=jnp.float32) * 0.1
    W_neigh = jnp.ones((NUM_HOP, D, D), dtype=jnp.float32)
    return {"x": x, "edge_index": edge_index, "W_self": W_self, "W_neigh": W_neigh}

def reference(x, edge_index, W_self, W_neigh):
    # SimpleAGG: num_hop stacked SAGEConvSUM layers on the same full graph
    # (blocks are represented by a single edge_index applied per hop).
    # Each layer: h_neigh = sum over incoming edges of h[src]; since
    # in_feats (1) is not > out_feats (1), lin_before_mp is False -> aggregate
    # first, then apply fc_neigh (weight = ones). rst = fc_self(h_self) + h_neigh.
    # Dropout is 0 -> identity between layers.
    src = edge_index[0]
    dst = edge_index[1]
    h = x
    for i in range(NUM_HOP):
        h_self = h
        msg = jnp.take(h, src, axis=0)  # copy_u gather
        neigh = jax.ops.segment_sum(msg, dst, num_segments=N)  # fn.sum scatter-add
        h_neigh = neigh @ W_neigh[i].T  # fc_neigh (no bias, weight=ones)
        h = h_self @ W_self[i].T + h_neigh  # fc_self + neigh
    return h

if __name__ == "__main__":
    import jax
    _d = setup_inputs()
    print(jax.jit(kernel)(*tuple(_d.values())))

</pallas_src>

<mosaic_0001>
#map = affine_map<(d0, d1) -> (0)>
module attributes {stable_mosaic.version = 14 : i64} {
  func.func @hop_kernel(%arg0: i32, %arg1: i32, %arg2: memref<100000xf32, #tpu.memory_space<hbm>>, %arg3: memref<12800000xi32, #tpu.memory_space<hbm>>, %arg4: memref<200192xf32, #tpu.memory_space<hbm>>, %arg5: memref<100000xf32, #tpu.memory_space<vmem>>, %arg6: memref<100096xf32, #tpu.memory_space<vmem_shared>>, %arg7: memref<2000xi32, #tpu.memory_space<vmem>>, %arg8: memref<2000xi32, #tpu.memory_space<vmem>>, %arg9: memref<2000xi32, #tpu.memory_space<vmem>>, %arg10: memref<2000xi32, #tpu.memory_space<vmem>>, %arg11: memref<2000xi32, #tpu.memory_space<vmem>>, %arg12: memref<2000xi32, #tpu.memory_space<vmem>>, %arg13: memref<2000xi32, #tpu.memory_space<vmem>>, %arg14: memref<2000xi32, #tpu.memory_space<vmem>>, %arg15: memref<2000xf32, #tpu.memory_space<vmem>>, %arg16: memref<2000xf32, #tpu.memory_space<vmem>>, %arg17: memref<2000xf32, #tpu.memory_space<vmem>>, %arg18: memref<2000xf32, #tpu.memory_space<vmem>>, %arg19: memref<!tpu.dma_semaphore, #tpu.memory_space<semaphore_mem>>, %arg20: memref<!tpu.dma_semaphore, #tpu.memory_space<semaphore_mem>>, %arg21: memref<!tpu.dma_semaphore, #tpu.memory_space<semaphore_mem>>, %arg22: memref<!tpu.dma_semaphore, #tpu.memory_space<semaphore_mem>>, %arg23: memref<!tpu.dma_semaphore, #tpu.memory_space<semaphore_mem>>, %arg24: memref<!tpu.dma_semaphore, #tpu.memory_space<semaphore_mem>>, %arg25: memref<!tpu.dma_semaphore, #tpu.memory_space<semaphore_mem>>, %arg26: memref<!tpu.dma_semaphore, #tpu.memory_space<semaphore_mem>>, %arg27: memref<!tpu.dma_semaphore, #tpu.memory_space<semaphore_mem>>) attributes {dimension_semantics = [#tpu.dimension_semantics<core_parallel>, #tpu.dimension_semantics<subcore_parallel>], iteration_bounds = array<i64: 2, 16>, scalar_prefetch = 0 : i64, scratch_operands = 23 : i64, tpu.core_type = #tpu.core_type<sc_vector_subcore>, window_params = [{transform_indices = #map}, {transform_indices = #map}, {transform_indices = #map}]} {
    %mul3A = arith.constant 2 : i32
    %mul3A_0 = arith.muli %arg1, %mul3A : i32
    %add3A = arith.addi %mul3A_0, %arg0 : i32
    %mul3A_1 = arith.constant 6256 : i32
    %mul3A_2 = arith.muli %arg1, %mul3A_1 : i32
    %mul3A_3 = arith.constant 200000 : i32
    %mul3A_4 = arith.muli %add3A, %mul3A_3 : i32
    %rem3A = arith.constant 0 : i32
    %rem3A_5 = arith.constant 100 : i32
    %rem3A_6 = arith.remsi %rem3A, %rem3A_5 : i32
    %mul3A_7 = arith.constant 2000 : i32
    %mul3A_8 = arith.muli %rem3A_6, %mul3A_7 : i32
    %add3A_9 = arith.addi %mul3A_4, %mul3A_8 : i32
    %dma_start3A = tpu.memref_slice %arg3[%add3A_9] : memref<12800000xi32, #tpu.memory_space<hbm>> -> memref<2000xi32, #tpu.memory_space<hbm>>
    %dma_start3A_10 = tpu.memref_slice %arg3[%add3A_9] : memref<12800000xi32, #tpu.memory_space<hbm>> -> memref<2000xi32, #tpu.memory_space<hbm>>
    tpu.enqueue_dma source(%dma_start3A_10 : memref<2000xi32, #tpu.memory_space<hbm>>) target(%arg7 : memref<2000xi32, #tpu.memory_space<vmem>>) target_semaphore(%arg19 : memref<!tpu.dma_semaphore, #tpu.memory_space<semaphore_mem>>)
    %add3A_11 = arith.constant 6400000 : i32
    %add3A_12 = arith.addi %add3A_11, %add3A_9 : i32
    %dma_start3A_13 = tpu.memref_slice %arg3[%add3A_12] : memref<12800000xi32, #tpu.memory_space<hbm>> -> memref<2000xi32, #tpu.memory_space<hbm>>
    %dma_start3A_14 = tpu.memref_slice %arg3[%add3A_12] : memref<12800000xi32, #tpu.memory_space<hbm>> -> memref<2000xi32, #tpu.memory_space<hbm>>
    tpu.enqueue_dma source(%dma_start3A_14 : memref<2000xi32, #tpu.memory_space<hbm>>) target(%arg11 : memref<2000xi32, #tpu.memory_space<vmem>>) target_semaphore(%arg19 : memref<!tpu.dma_semaphore, #tpu.memory_space<semaphore_mem>>)
    %rem3A_15 = arith.constant 1 : i32
    %rem3A_16 = arith.constant 100 : i32
    %rem3A_17 = arith.remsi %rem3A_15, %rem3A_16 : i32
    %mul3A_18 = arith.constant 2000 : i32
    %mul3A_19 = arith.muli %rem3A_17, %mul3A_18 : i32
    %add3A_20 = arith.addi %mul3A_4, %mul3A_19 : i32
    %dma_start3A_21 = tpu.memref_slice %arg3[%add3A_20] : memref<12800000xi32, #tpu.memory_space<hbm>> -> memref<2000xi32, #tpu.memory_space<hbm>>
    %dma_start3A_22 = tpu.memref_slice %arg3[%add3A_20] : memref<12800000xi32, #tpu.memory_space<hbm>> -> memref<2000xi32, #tpu.memory_space<hbm>>
    tpu.enqueue_dma source(%dma_start3A_22 : memref<2000xi32, #tpu.memory_space<hbm>>) target(%arg8 : memref<2000xi32, #tpu.memory_space<vmem>>) target_semaphore(%arg20 : memref<!tpu.dma_semaphore, #tpu.memory_space<semaphore_mem>>)
    %add3A_23 = arith.constant 6400000 : i32
    %add3A_24 = arith.addi %add3A_23, %add3A_20 : i32
    %dma_start3A_25 = tpu.memref_slice %arg3[%add3A_24] : memref<12800000xi32, #tpu.memory_space<hbm>> -> memref<2000xi32, #tpu.memory_space<hbm>>
    %dma_start3A_26 = tpu.memref_slice %arg3[%add3A_24] : memref<12800000xi32, #tpu.memory_space<hbm>> -> memref<2000xi32, #tpu.memory_space<hbm>>
    tpu.enqueue_dma source(%dma_start3A_26 : memref<2000xi32, #tpu.memory_space<hbm>>) target(%arg12 : memref<2000xi32, #tpu.memory_space<vmem>>) target_semaphore(%arg20 : memref<!tpu.dma_semaphore, #tpu.memory_space<semaphore_mem>>)
    tpu.enqueue_dma source(%arg2 : memref<100000xf32, #tpu.memory_space<hbm>>) target(%arg5 : memref<100000xf32, #tpu.memory_space<vmem>>) target_semaphore(%arg27 : memref<!tpu.dma_semaphore, #tpu.memory_space<semaphore_mem>>)
    %scan3A = arith.constant 0 : i32
    %scan3A_27 = arith.constant 0 : i32
    %scan3A_28 = arith.constant 125 : i32
    %scan3A_29 = arith.addi %scan3A_27, %scan3A_28 : i32
    %scan3A_30 = arith.constant 1 : i32
    scf.for %scan3A_210 = %scan3A_27 to %scan3A_29 step %scan3A_30  : i32 {
      %broadcast_in_dim3A = arith.constant 0.000000e+00 : f32
      %broadcast_in_dim3A_211 = vector.broadcast %broadcast_in_dim3A : f32 to vector<16xf32>
      %mul3A_212 = arith.constant 16 : i32
      %mul3A_213 = arith.muli %scan3A_210, %mul3A_212 : i32
      %swap3A = arith.index_cast %mul3A_213 : i32 to index
      %swap3A_214 = tpu.vector_load %arg15[%swap3A] {strides = array<i32>} : memref<2000xf32, #tpu.memory_space<vmem>>, vector<16xf32>,
      tpu.vector_store %arg15[%swap3A], %broadcast_in_dim3A_211 {strides = array<i32>} : memref<2000xf32, #tpu.memory_space<vmem>>, vector<16xf32>,
    }
    %scan3A_31 = arith.constant 125 : i32
    %add3A_32 = arith.constant 0 : i32
    %add3A_33 = arith.addi %mul3A_2, %add3A_32 : i32
    "tpu.region"() ({
      %run_scoped3A = tpu.sem_alloc : memref<!tpu.dma_semaphore, #tpu.memory_space<semaphore_mem>>
      %dma_start3A_210 = arith.constant 0 : i32
      %dma_start3A_211 = tpu.memref_slice %arg15[%dma_start3A_210] : memref<2000xf32, #tpu.memory_space<vmem>> -> memref<2000xf32, #tpu.memory_space<vmem>>
      %dma_start3A_212 = tpu.memref_slice %arg6[%add3A_33] : memref<100096xf32, #tpu.memory_space<vmem_shared>> -> memref<2000xf32, #tpu.memory_space<vmem_shared>>
      %dma_start3A_213 = tpu.memref_slice %arg6[%add3A_33] : memref<100096xf32, #tpu.memory_space<vmem_shared>> -> memref<2000xf32, #tpu.memory_space<vmem_shared>>
      %dma_start3A_214 = arith.constant 0 : i32
      %dma_start3A_215 = tpu.memref_slice %arg15[%dma_start3A_214] : memref<2000xf32, #tpu.memory_space<vmem>> -> memref<2000xf32, #tpu.memory_space<vmem>>
      tpu.enqueue_dma source(%dma_start3A_215 : memref<2000xf32, #tpu.memory_space<vmem>>) target(%dma_start3A_213 : memref<2000xf32, #tpu.memory_space<vmem_shared>>) target_semaphore(%run_scoped3A : memref<!tpu.dma_semaphore, #tpu.memory_space<semaphore_mem>>)
      %dma_wait3A_216 = arith.constant 0 : i32
      %dma_wait3A_217 = tpu.memref_slice %arg15[%dma_wait3A_216] : memref<2000xf32, #tpu.memory_space<vmem>> -> memref<2000xf32, #tpu.memory_space<vmem>>
      %dma_wait3A_218 = tpu.memref_slice %arg6[%add3A_33] : memref<100096xf32, #tpu.memory_space<vmem_shared>> -> memref<2000xf32, #tpu.memory_space<vmem_shared>>
      %dma_wait3A_219 = tpu.memref_slice %arg6[%add3A_33] : memref<100096xf32, #tpu.memory_space<vmem_shared>> -> memref<2000xf32, #tpu.memory_space<vmem_shared>>
      %dma_wait3A_220 = arith.constant 0 : i32
      %dma_wait3A_221 = tpu.memref_slice %arg15[%dma_wait3A_220] : memref<2000xf32, #tpu.memory_space<vmem>> -> memref<2000xf32, #tpu.memory_space<vmem>>
      tpu.wait_dma2 semaphore(%run_scoped3A : memref<!tpu.dma_semaphore, #tpu.memory_space<semaphore_mem>>) src(%dma_wait3A_221 : memref<2000xf32, #tpu.memory_space<vmem>>) dst(%dma_wait3A_219 : memref<2000xf32, #tpu.memory_space<vmem_shared>>)
      tpu.yield
    }) : () -> ()
    %add3A_34 = arith.constant 2000 : i32
    %add3A_35 = arith.addi %mul3A_2, %add3A_34 : i32
    "tpu.region"() ({
      %run_scoped3A = tpu.sem_alloc : memref<!tpu.dma_semaphore, #tpu.memory_space<semaphore_mem>>
      %dma_start3A_210 = arith.constant 0 : i32
      %dma_start3A_211 = tpu.memref_slice %arg15[%dma_start3A_210] : memref<2000xf32, #tpu.memory_space<vmem>> -> memref<2000xf32, #tpu.memory_space<vmem>>
      %dma_start3A_212 = tpu.memref_slice %arg6[%add3A_35] : memref<100096xf32, #tpu.memory_space<vmem_shared>> -> memref<2000xf32, #tpu.memory_space<vmem_shared>>
      %dma_start3A_213 = tpu.memref_slice %arg6[%add3A_35] : memref<100096xf32, #tpu.memory_space<vmem_shared>> -> memref<2000xf32, #tpu.memory_space<vmem_shared>>
      %dma_start3A_214 = arith.constant 0 : i32
      %dma_start3A_215 = tpu.memref_slice %arg15[%dma_start3A_214] : memref<2000xf32, #tpu.memory_space<vmem>> -> memref<2000xf32, #tpu.memory_space<vmem>>
      tpu.enqueue_dma source(%dma_start3A_215 : memref<2000xf32, #tpu.memory_space<vmem>>) target(%dma_start3A_213 : memref<2000xf32, #tpu.memory_space<vmem_shared>>) target_semaphore(%run_scoped3A : memref<!tpu.dma_semaphore, #tpu.memory_space<semaphore_mem>>)
      %dma_wait3A_216 = arith.constant 0 : i32
      %dma_wait3A_217 = tpu.memref_slice %arg15[%dma_wait3A_216] : memref<2000xf32, #tpu.memory_space<vmem>> -> memref<2000xf32, #tpu.memory_space<vmem>>
      %dma_wait3A_218 = tpu.memref_slice %arg6[%add3A_35] : memref<100096xf32, #tpu.memory_space<vmem_shared>> -> memref<2000xf32, #tpu.memory_space<vmem_shared>>
      %dma_wait3A_219 = tpu.memref_slice %arg6[%add3A_35] : memref<100096xf32, #tpu.memory_space<vmem_shared>> -> memref<2000xf32, #tpu.memory_space<vmem_shared>>
      %dma_wait3A_220 = arith.constant 0 : i32
      %dma_wait3A_221 = tpu.memref_slice %arg15[%dma_wait3A_220] : memref<2000xf32, #tpu.memory_space<vmem>> -> memref<2000xf32, #tpu.memory_space<vmem>>
      tpu.wait_dma2 semaphore(%run_scoped3A : memref<!tpu.dma_semaphore, #tpu.memory_space<semaphore_mem>>) src(%dma_wait3A_221 : memref<2000xf32, #tpu.memory_space<vmem>>) dst(%dma_wait3A_219 : memref<2000xf32, #tpu.memory_space<vmem_shared>>)
      tpu.yield
    }) : () -> ()
    %add3A_36 = arith.constant 4000 : i32
    %add3A_37 = arith.addi %mul3A_2, %add3A_36 : i32
    "tpu.region"() ({
      %run_scoped3A = tpu.sem_alloc : memref<!tpu.dma_semaphore, #tpu.memory_space<semaphore_mem>>
      %dma_start3A_210 = arith.constant 0 : i32
      %dma_start3A_211 = tpu.memref_slice %arg15[%dma_start3A_210] : memref<2000xf32, #tpu.memory_space<vmem>> -> memref<2000xf32, #tpu.memory_space<vmem>>
      %dma_start3A_212 = tpu.memref_slice %arg6[%add3A_37] : memref<100096xf32, #tpu.memory_space<vmem_shared>> -> memref<2000xf32, #tpu.memory_space<vmem_shared>>
      %dma_start3A_213 = tpu.memref_slice %arg6[%add3A_37] : memref<100096xf32, #tpu.memory_space<vmem_shared>> -> memref<2000xf32, #tpu.memory_space<vmem_shared>>
      %dma_start3A_214 = arith.constant 0 : i32
      %dma_start3A_215 = tpu.memref_slice %arg15[%dma_start3A_214] : memref<2000xf32, #tpu.memory_space<vmem>> -> memref<2000xf32, #tpu.memory_space<vmem>>
      tpu.enqueue_dma source(%dma_start3A_215 : memref<2000xf32, #tpu.memory_space<vmem>>) target(%dma_start3A_213 : memref<2000xf32, #tpu.memory_space<vmem_shared>>) target_semaphore(%run_scoped3A : memref<!tpu.dma_semaphore, #tpu.memory_space<semaphore_mem>>)
      %dma_wait3A_216 = arith.constant 0 : i32
      %dma_wait3A_217 = tpu.memref_slice %arg15[%dma_wait3A_216] : memref<2000xf32, #tpu.memory_space<vmem>> -> memref<2000xf32, #tpu.memory_space<vmem>>
      %dma_wait3A_218 = tpu.memref_slice %arg6[%add3A_37] : memref<100096xf32, #tpu.memory_space<vmem_shared>> -> memref<2000xf32, #tpu.memory_space<vmem_shared>>
      %dma_wait3A_219 = tpu.memref_slice %arg6[%add3A_37] : memref<100096xf32, #tpu.memory_space<vmem_shared>> -> memref<2000xf32, #tpu.memory_space<vmem_shared>>
      %dma_wait3A_220 = arith.constant 0 : i32
      %dma_wait3A_221 = tpu.memref_slice %arg15[%dma_wait3A_220] : memref<2000xf32, #tpu.memory_space<vmem>> -> memref<2000xf32, #tpu.memory_space<vmem>>
      tpu.wait_dma2 semaphore(%run_scoped3A : memref<!tpu.dma_semaphore, #tpu.memory_space<semaphore_mem>>) src(%dma_wait3A_221 : memref<2000xf32, #tpu.memory_space<vmem>>) dst(%dma_wait3A_219 : memref<2000xf32, #tpu.memory_space<vmem_shared>>)
      tpu.yield
    }) : () -> ()
    %add3A_38 = arith.constant 6000 : i32
    %add3A_39 = arith.addi %mul3A_2, %add3A_38 : i32
    "tpu.region"() ({
      %run_scoped3A = tpu.sem_alloc : memref<!tpu.dma_semaphore, #tpu.memory_space<semaphore_mem>>
      %dma_start3A_210 = arith.constant 0 : i32
      %dma_start3A_211 = tpu.memref_slice %arg15[%dma_start3A_210] : memref<2000xf32, #tpu.memory_space<vmem>> -> memref<256xf32, #tpu.memory_space<vmem>>
      %dma_start3A_212 = tpu.memref_slice %arg6[%add3A_39] : memref<100096xf32, #tpu.memory_space<vmem_shared>> -> memref<256xf32, #tpu.memory_space<vmem_shared>>
      %dma_start3A_213 = tpu.memref_slice %arg6[%add3A_39] : memref<100096xf32, #tpu.memory_space<vmem_shared>> -> memref<256xf32, #tpu.memory_space<vmem_shared>>
      %dma_start3A_214 = arith.constant 0 : i32
      %dma_start3A_215 = tpu.memref_slice %arg15[%dma_start3A_214] : memref<2000xf32, #tpu.memory_space<vmem>> -> memref<256xf32, #tpu.memory_space<vmem>>
      tpu.enqueue_dma source(%dma_start3A_215 : memref<256xf32, #tpu.memory_space<vmem>>) target(%dma_start3A_213 : memref<256xf32, #tpu.memory_space<vmem_shared>>) target_semaphore(%run_scoped3A : memref<!tpu.dma_semaphore, #tpu.memory_space<semaphore_mem>>)
      %dma_wait3A_216 = arith.constant 0 : i32
      %dma_wait3A_217 = tpu.memref_slice %arg15[%dma_wait3A_216] : memref<2000xf32, #tpu.memory_space<vmem>> -> memref<256xf32, #tpu.memory_space<vmem>>
      %dma_wait3A_218 = tpu.memref_slice %arg6[%add3A_39] : memref<100096xf32, #tpu.memory_space<vmem_shared>> -> memref<256xf32, #tpu.memory_space<vmem_shared>>
      %dma_wait3A_219 = tpu.memref_slice %arg6[%add3A_39] : memref<100096xf32, #tpu.memory_space<vmem_shared>> -> memref<256xf32, #tpu.memory_space<vmem_shared>>
      %dma_wait3A_220 = arith.constant 0 : i32
      %dma_wait3A_221 = tpu.memref_slice %arg15[%dma_wait3A_220] : memref<2000xf32, #tpu.memory_space<vmem>> -> memref<256xf32, #tpu.memory_space<vmem>>
      tpu.wait_dma2 semaphore(%run_scoped3A : memref<!tpu.dma_semaphore, #tpu.memory_space<semaphore_mem>>) src(%dma_wait3A_221 : memref<256xf32, #tpu.memory_space<vmem>>) dst(%dma_wait3A_219 : memref<256xf32, #tpu.memory_space<vmem_shared>>)
      tpu.yield
    }) : () -> ()
    %barrier3A = arith.constant 0 : index
    tpu.barrier barrier_id(%barrier3A)
    tpu.wait_dma2 semaphore(%arg27 : memref<!tpu.dma_semaphore, #tpu.memory_space<semaphore_mem>>) src(%arg2 : memref<100000xf32, #tpu.memory_space<hbm>>) dst(%arg5 : memref<100000xf32, #tpu.memory_space<vmem>>)
    %dma_wait3A = arith.constant 0 : i32
    %dma_wait3A_40 = tpu.memref_slice %arg3[%dma_wait3A] : memref<12800000xi32, #tpu.memory_space<hbm>> -> memref<2000xi32, #tpu.memory_space<hbm>>
    %dma_wait3A_41 = arith.constant 0 : i32
    %dma_wait3A_42 = tpu.memref_slice %arg3[%dma_wait3A_41] : memref<12800000xi32, #tpu.memory_space<hbm>> -> memref<2000xi32, #tpu.memory_space<hbm>>
    tpu.wait_dma2 semaphore(%arg19 : memref<!tpu.dma_semaphore, #tpu.memory_space<semaphore_mem>>) src(%dma_wait3A_42 : memref<2000xi32, #tpu.memory_space<hbm>>) dst(%arg7 : memref<2000xi32, #tpu.memory_space<vmem>>)
    %dma_wait3A_43 = arith.constant 0 : i32
    %dma_wait3A_44 = tpu.memref_slice %arg3[%dma_wait3A_43] : memref<12800000xi32, #tpu.memory_space<hbm>> -> memref<2000xi32, #tpu.memory_space<hbm>>
    %dma_wait3A_45 = arith.constant 0 : i32
    %dma_wait3A_46 = tpu.memref_slice %arg3[%dma_wait3A_45] : memref<12800000xi32, #tpu.memory_space<hbm>> -> memref<2000xi32, #tpu.memory_space<hbm>>
    tpu.wait_dma2 semaphore(%arg19 : memref<!tpu.dma_semaphore, #tpu.memory_space<semaphore_mem>>) src(%dma_wait3A_46 : memref<2000xi32, #tpu.memory_space<hbm>>) dst(%arg11 : memref<2000xi32, #tpu.memory_space<vmem>>)
    %rem3A_47 = arith.constant 2 : i32
    %rem3A_48 = arith.constant 100 : i32
    %rem3A_49 = arith.remsi %rem3A_47, %rem3A_48 : i32
    %mul3A_50 = arith.constant 2000 : i32
    %mul3A_51 = arith.muli %rem3A_49, %mul3A_50 : i32
    %add3A_52 = arith.addi %mul3A_4, %mul3A_51 : i32
    %dma_start3A_53 = tpu.memref_slice %arg3[%add3A_52] : memref<12800000xi32, #tpu.memory_space<hbm>> -> memref<2000xi32, #tpu.memory_space<hbm>>
    %dma_start3A_54 = tpu.memref_slice %arg3[%add3A_52] : memref<12800000xi32, #tpu.memory_space<hbm>> -> memref<2000xi32, #tpu.memory_space<hbm>>
    tpu.enqueue_dma source(%dma_start3A_54 : memref<2000xi32, #tpu.memory_space<hbm>>) target(%arg9 : memref<2000xi32, #tpu.memory_space<vmem>>) target_semaphore(%arg21 : memref<!tpu.dma_semaphore, #tpu.memory_space<semaphore_mem>>)
    %add3A_55 = arith.constant 6400000 : i32
    %add3A_56 = arith.addi %add3A_55, %add3A_52 : i32
    %dma_start3A_57 = tpu.memref_slice %arg3[%add3A_56] : memref<12800000xi32, #tpu.memory_space<hbm>> -> memref<2000xi32, #tpu.memory_space<hbm>>
    %dma_start3A_58 = tpu.memref_slice %arg3[%add3A_56] : memref<12800000xi32, #tpu.memory_space<hbm>> -> memref<2000xi32, #tpu.memory_space<hbm>>
    tpu.enqueue_dma source(%dma_start3A_58 : memref<2000xi32, #tpu.memory_space<hbm>>) target(%arg13 : memref<2000xi32, #tpu.memory_space<vmem>>) target_semaphore(%arg21 : memref<!tpu.dma_semaphore, #tpu.memory_space<semaphore_mem>>)
    %scan3A_59 = arith.constant 0 : i32
    %scan3A_60 = arith.constant 0 : i32
    %scan3A_61 = arith.constant 125 : i32
    %scan3A_62 = arith.addi %scan3A_60, %scan3A_61 : i32
    %scan3A_63 = arith.constant 1 : i32
    scf.for %scan3A_210 = %scan3A_60 to %scan3A_62 step %scan3A_63  : i32 {
      %mul3A_211 = arith.constant 16 : i32
      %mul3A_212 = arith.muli %scan3A_210, %mul3A_211 : i32
      %get3A = arith.index_cast %mul3A_212 : i32 to index
      %get3A_213 = tpu.vector_load %arg7[%get3A] {strides = array<i32>} : memref<2000xi32, #tpu.memory_space<vmem>>, vector<16xi32>,
      %gather3A = tpu.vector_load_idx %arg5[%get3A_213] : memref<100000xf32, #tpu.memory_space<vmem>>[vector<16xi32>], vector<16xf32>,
      %mul3A_214 = arith.constant 16 : i32
      %mul3A_215 = arith.muli %scan3A_210, %mul3A_214 : i32
      %swap3A = arith.index_cast %mul3A_215 : i32 to index
      %swap3A_216 = tpu.vector_load %arg15[%swap3A] {strides = array<i32>} : memref<2000xf32, #tpu.memory_space<vmem>>, vector<16xf32>,
      tpu.vector_store %arg15[%swap3A], %gather3A {strides = array<i32>} : memref<2000xf32, #tpu.memory_space<vmem>>, vector<16xf32>,
    }
    %scan3A_64 = arith.constant 125 : i32
    %dma_start3A_65 = arith.constant 0 : i32
    %dma_start3A_66 = tpu.memref_slice %arg6[%dma_start3A_65] : memref<100096xf32, #tpu.memory_space<vmem_shared>> -> memref<100096xf32, #tpu.memory_space<vmem_shared>>
    tpu.enqueue_indirect_dma source(%arg15 : memref<2000xf32, #tpu.memory_space<vmem>>) target(%dma_start3A_66 : memref<100096xf32, #tpu.memory_space<vmem_shared>>) offsets(%arg11 : memref<2000xi32, #tpu.memory_space<vmem>>) semaphore(%arg23 : memref<!tpu.dma_semaphore, #tpu.memory_space<semaphore_mem>>) {add = true}
    %dma_wait3A_67 = arith.constant 0 : i32
    %dma_wait3A_68 = tpu.memref_slice %arg3[%dma_wait3A_67] : memref<12800000xi32, #tpu.memory_space<hbm>> -> memref<2000xi32, #tpu.memory_space<hbm>>
    %dma_wait3A_69 = arith.constant 0 : i32
    %dma_wait3A_70 = tpu.memref_slice %arg3[%dma_wait3A_69] : memref<12800000xi32, #tpu.memory_space<hbm>> -> memref<2000xi32, #tpu.memory_space<hbm>>
    tpu.wait_dma2 semaphore(%arg20 : memref<!tpu.dma_semaphore, #tpu.memory_space<semaphore_mem>>) src(%dma_wait3A_70 : memref<2000xi32, #tpu.memory_space<hbm>>) dst(%arg8 : memref<2000xi32, #tpu.memory_space<vmem>>)
    %dma_wait3A_71 = arith.constant 0 : i32
    %dma_wait3A_72 = tpu.memref_slice %arg3[%dma_wait3A_71] : memref<12800000xi32, #tpu.memory_space<hbm>> -> memref<2000xi32, #tpu.memory_space<hbm>>
    %dma_wait3A_73 = arith.constant 0 : i32
    %dma_wait3A_74 = tpu.memref_slice %arg3[%dma_wait3A_73] : memref<12800000xi32, #tpu.memory_space<hbm>> -> memref<2000xi32, #tpu.memory_space<hbm>>
    tpu.wait_dma2 semaphore(%arg20 : memref<!tpu.dma_semaphore, #tpu.memory_space<semaphore_mem>>) src(%dma_wait3A_74 : memref<2000xi32, #tpu.memory_space<hbm>>) dst(%arg12 : memref<2000xi32, #tpu.memory_space<vmem>>)
    %rem3A_75 = arith.constant 3 : i32
    %rem3A_76 = arith.constant 100 : i32
    %rem3A_77 = arith.remsi %rem3A_75, %rem3A_76 : i32
    %mul3A_78 = arith.constant 2000 : i32
    %mul3A_79 = arith.muli %rem3A_77, %mul3A_78 : i32
    %add3A_80 = arith.addi %mul3A_4, %mul3A_79 : i32
    %dma_start3A_81 = tpu.memref_slice %arg3[%add3A_80] : memref<12800000xi32, #tpu.memory_space<hbm>> -> memref<2000xi32, #tpu.memory_space<hbm>>
    %dma_start3A_82 = tpu.memref_slice %arg3[%add3A_80] : memref<12800000xi32, #tpu.memory_space<hbm>> -> memref<2000xi32, #tpu.memory_space<hbm>>
    tpu.enqueue_dma source(%dma_start3A_82 : memref<2000xi32, #tpu.memory_space<hbm>>) target(%arg10 : memref<2000xi32, #tpu.memory_space<vmem>>) target_semaphore(%arg22 : memref<!tpu.dma_semaphore, #tpu.memory_space<semaphore_mem>>)
    %add3A_83 = arith.constant 6400000 : i32
    %add3A_84 = arith.addi %add3A_83, %add3A_80 : i32
    %dma_start3A_85 = tpu.memref_slice %arg3[%add3A_84] : memref<12800000xi32, #tpu.memory_space<hbm>> -> memref<2000xi32, #tpu.memory_space<hbm>>
    %dma_start3A_86 = tpu.memref_slice %arg3[%add3A_84] : memref<12800000xi32, #tpu.memory_space<hbm>> -> memref<2000xi32, #tpu.memory_space<hbm>>
    tpu.enqueue_dma source(%dma_start3A_86 : memref<2000xi32, #tpu.memory_space<hbm>>) target(%arg14 : memref<2000xi32, #tpu.memory_space<vmem>>) target_semaphore(%arg22 : memref<!tpu.dma_semaphore, #tpu.memory_space<semaphore_mem>>)
    %scan3A_87 = arith.constant 0 : i32
    %scan3A_88 = arith.constant 0 : i32
    %scan3A_89 = arith.constant 125 : i32
    %scan3A_90 = arith.addi %scan3A_88, %scan3A_89 : i32
    %scan3A_91 = arith.constant 1 : i32
    scf.for %scan3A_210 = %scan3A_88 to %scan3A_90 step %scan3A_91  : i32 {
      %mul3A_211 = arith.constant 16 : i32
      %mul3A_212 = arith.muli %scan3A_210, %mul3A_211 : i32
      %get3A = arith.index_cast %mul3A_212 : i32 to index
      %get3A_213 = tpu.vector_load %arg8[%get3A] {strides = array<i32>} : memref<2000xi32, #tpu.memory_space<vmem>>, vector<16xi32>,
      %gather3A = tpu.vector_load_idx %arg5[%get3A_213] : memref<100000xf32, #tpu.memory_space<vmem>>[vector<16xi32>], vector<16xf32>,
      %mul3A_214 = arith.constant 16 : i32
      %mul3A_215 = arith.muli %scan3A_210, %mul3A_214 : i32
      %swap3A = arith.index_cast %mul3A_215 : i32 to index
      %swap3A_216 = tpu.vector_load %arg16[%swap3A] {strides = array<i32>} : memref<2000xf32, #tpu.memory_space<vmem>>, vector<16xf32>,
      tpu.vector_store %arg16[%swap3A], %gather3A {strides = array<i32>} : memref<2000xf32, #tpu.memory_space<vmem>>, vector<16xf32>,
    }
    %scan3A_92 = arith.constant 125 : i32
    %dma_start3A_93 = arith.constant 0 : i32
    %dma_start3A_94 = tpu.memref_slice %arg6[%dma_start3A_93] : memref<100096xf32, #tpu.memory_space<vmem_shared>> -> memref<100096xf32, #tpu.memory_space<vmem_shared>>
    tpu.enqueue_indirect_dma source(%arg16 : memref<2000xf32, #tpu.memory_space<vmem>>) target(%dma_start3A_94 : memref<100096xf32, #tpu.memory_space<vmem_shared>>) offsets(%arg12 : memref<2000xi32, #tpu.memory_space<vmem>>) semaphore(%arg24 : memref<!tpu.dma_semaphore, #tpu.memory_space<semaphore_mem>>) {add = true}
    %dma_wait3A_95 = arith.constant 0 : i32
    %dma_wait3A_96 = tpu.memref_slice %arg3[%dma_wait3A_95] : memref<12800000xi32, #tpu.memory_space<hbm>> -> memref<2000xi32, #tpu.memory_space<hbm>>
    %dma_wait3A_97 = arith.constant 0 : i32
    %dma_wait3A_98 = tpu.memref_slice %arg3[%dma_wait3A_97] : memref<12800000xi32, #tpu.memory_space<hbm>> -> memref<2000xi32, #tpu.memory_space<hbm>>
    tpu.wait_dma2 semaphore(%arg21 : memref<!tpu.dma_semaphore, #tpu.memory_space<semaphore_mem>>) src(%dma_wait3A_98 : memref<2000xi32, #tpu.memory_space<hbm>>) dst(%arg9 : memref<2000xi32, #tpu.memory_space<vmem>>)
    %dma_wait3A_99 = arith.constant 0 : i32
    %dma_wait3A_100 = tpu.memref_slice %arg3[%dma_wait3A_99] : memref<12800000xi32, #tpu.memory_space<hbm>> -> memref<2000xi32, #tpu.memory_space<hbm>>
    %dma_wait3A_101 = arith.constant 0 : i32
    %dma_wait3A_102 = tpu.memref_slice %arg3[%dma_wait3A_101] : memref<12800000xi32, #tpu.memory_space<hbm>> -> memref<2000xi32, #tpu.memory_space<hbm>>
    tpu.wait_dma2 semaphore(%arg21 : memref<!tpu.dma_semaphore, #tpu.memory_space<semaphore_mem>>) src(%dma_wait3A_102 : memref<2000xi32, #tpu.memory_space<hbm>>) dst(%arg13 : memref<2000xi32, #tpu.memory_space<vmem>>)
    %dma_wait3A_103 = arith.constant 0 : i32
    %dma_wait3A_104 = tpu.memref_slice %arg6[%dma_wait3A_103] : memref<100096xf32, #tpu.memory_space<vmem_shared>> -> memref<100096xf32, #tpu.memory_space<vmem_shared>>
    tpu.wait_indirect_dma semaphore(%arg23 : memref<!tpu.dma_semaphore, #tpu.memory_space<semaphore_mem>>) src(%arg15 : memref<2000xf32, #tpu.memory_space<vmem>>) dst(%dma_wait3A_104 : memref<100096xf32, #tpu.memory_space<vmem_shared>>)
    %rem3A_105 = arith.constant 4 : i32
    %rem3A_106 = arith.constant 100 : i32
    %rem3A_107 = arith.remsi %rem3A_105, %rem3A_106 : i32
    %mul3A_108 = arith.constant 2000 : i32
    %mul3A_109 = arith.muli %rem3A_107, %mul3A_108 : i32
    %add3A_110 = arith.addi %mul3A_4, %mul3A_109 : i32
    %dma_start3A_111 = tpu.memref_slice %arg3[%add3A_110] : memref<12800000xi32, #tpu.memory_space<hbm>> -> memref<2000xi32, #tpu.memory_space<hbm>>
    %dma_start3A_112 = tpu.memref_slice %arg3[%add3A_110] : memref<12800000xi32, #tpu.memory_space<hbm>> -> memref<2000xi32, #tpu.memory_space<hbm>>
    tpu.enqueue_dma source(%dma_start3A_112 : memref<2000xi32, #tpu.memory_space<hbm>>) target(%arg7 : memref<2000xi32, #tpu.memory_space<vmem>>) target_semaphore(%arg19 : memref<!tpu.dma_semaphore, #tpu.memory_space<semaphore_mem>>)
    %add3A_113 = arith.constant 6400000 : i32
    %add3A_114 = arith.addi %add3A_113, %add3A_110 : i32
    %dma_start3A_115 = tpu.memref_slice %arg3[%add3A_114] : memref<12800000xi32, #tpu.memory_space<hbm>> -> memref<2000xi32, #tpu.memory_space<hbm>>
    %dma_start3A_116 = tpu.memref_slice %arg3[%add3A_114] : memref<12800000xi32, #tpu.memory_space<hbm>> -> memref<2000xi32, #tpu.memory_space<hbm>>
    tpu.enqueue_dma source(%dma_start3A_116 : memref<2000xi32, #tpu.memory_space<hbm>>) target(%arg11 : memref<2000xi32, #tpu.memory_space<vmem>>) target_semaphore(%arg19 : memref<!tpu.dma_semaphore, #tpu.memory_space<semaphore_mem>>)
    %scan3A_117 = arith.constant 0 : i32
    %scan3A_118 = arith.constant 0 : i32
    %scan3A_119 = arith.constant 125 : i32
    %scan3A_120 = arith.addi %scan3A_118, %scan3A_119 : i32
    %scan3A_121 = arith.constant 1 : i32
    scf.for %scan3A_210 = %scan3A_118 to %scan3A_120 step %scan3A_121  : i32 {
      %mul3A_211 = arith.constant 16 : i32
      %mul3A_212 = arith.muli %scan3A_210, %mul3A_211 : i32
      %get3A = arith.index_cast %mul3A_212 : i32 to index
      %get3A_213 = tpu.vector_load %arg9[%get3A] {strides = array<i32>} : memref<2000xi32, #tpu.memory_space<vmem>>, vector<16xi32>,
      %gather3A = tpu.vector_load_idx %arg5[%get3A_213] : memref<100000xf32, #tpu.memory_space<vmem>>[vector<16xi32>], vector<16xf32>,
      %mul3A_214 = arith.constant 16 : i32
      %mul3A_215 = arith.muli %scan3A_210, %mul3A_214 : i32
      %swap3A = arith.index_cast %mul3A_215 : i32 to index
      %swap3A_216 = tpu.vector_load %arg17[%swap3A] {strides = array<i32>} : memref<2000xf32, #tpu.memory_space<vmem>>, vector<16xf32>,
      tpu.vector_store %arg17[%swap3A], %gather3A {strides = array<i32>} : memref<2000xf32, #tpu.memory_space<vmem>>, vector<16xf32>,
    }
    %scan3A_122 = arith.constant 125 : i32
    %dma_start3A_123 = arith.constant 0 : i32
    %dma_start3A_124 = tpu.memref_slice %arg6[%dma_start3A_123] : memref<100096xf32, #tpu.memory_space<vmem_shared>> -> memref<100096xf32, #tpu.memory_space<vmem_shared>>
    tpu.enqueue_indirect_dma source(%arg17 : memref<2000xf32, #tpu.memory_space<vmem>>) target(%dma_start3A_124 : memref<100096xf32, #tpu.memory_space<vmem_shared>>) offsets(%arg13 : memref<2000xi32, #tpu.memory_space<vmem>>) semaphore(%arg25 : memref<!tpu.dma_semaphore, #tpu.memory_space<semaphore_mem>>) {add = true}
    %dma_wait3A_125 = arith.constant 0 : i32
    %dma_wait3A_126 = tpu.memref_slice %arg3[%dma_wait3A_125] : memref<12800000xi32, #tpu.memory_space<hbm>> -> memref<2000xi32, #tpu.memory_space<hbm>>
    %dma_wait3A_127 = arith.constant 0 : i32
    %dma_wait3A_128 = tpu.memref_slice %arg3[%dma_wait3A_127] : memref<12800000xi32, #tpu.memory_space<hbm>> -> memref<2000xi32, #tpu.memory_space<hbm>>
    tpu.wait_dma2 semaphore(%arg22 : memref<!tpu.dma_semaphore, #tpu.memory_space<semaphore_mem>>) src(%dma_wait3A_128 : memref<2000xi32, #tpu.memory_space<hbm>>) dst(%arg10 : memref<2000xi32, #tpu.memory_space<vmem>>)
    %dma_wait3A_129 = arith.constant 0 : i32
    %dma_wait3A_130 = tpu.memref_slice %arg3[%dma_wait3A_129] : memref<12800000xi32, #tpu.memory_space<hbm>> -> memref<2000xi32, #tpu.memory_space<hbm>>
    %dma_wait3A_131 = arith.constant 0 : i32
    %dma_wait3A_132 = tpu.memref_slice %arg3[%dma_wait3A_131] : memref<12800000xi32, #tpu.memory_space<hbm>> -> memref<2000xi32, #tpu.memory_space<hbm>>
    tpu.wait_dma2 semaphore(%arg22 : memref<!tpu.dma_semaphore, #tpu.memory_space<semaphore_mem>>) src(%dma_wait3A_132 : memref<2000xi32, #tpu.memory_space<hbm>>) dst(%arg14 : memref<2000xi32, #tpu.memory_space<vmem>>)
    %dma_wait3A_133 = arith.constant 0 : i32
    %dma_wait3A_134 = tpu.memref_slice %arg6[%dma_wait3A_133] : memref<100096xf32, #tpu.memory_space<vmem_shared>> -> memref<100096xf32, #tpu.memory_space<vmem_shared>>
    tpu.wait_indirect_dma semaphore(%arg24 : memref<!tpu.dma_semaphore, #tpu.memory_space<semaphore_mem>>) src(%arg16 : memref<2000xf32, #tpu.memory_space<vmem>>) dst(%dma_wait3A_134 : memref<100096xf32, #tpu.memory_space<vmem_shared>>)
    %rem3A_135 = arith.constant 5 : i32
    %rem3A_136 = arith.constant 100 : i32
    %rem3A_137 = arith.remsi %rem3A_135, %rem3A_136 : i32
    %mul3A_138 = arith.constant 2000 : i32
    %mul3A_139 = arith.muli %rem3A_137, %mul3A_138 : i32
    %add3A_140 = arith.addi %mul3A_4, %mul3A_139 : i32
    %dma_start3A_141 = tpu.memref_slice %arg3[%add3A_140] : memref<12800000xi32, #tpu.memory_space<hbm>> -> memref<2000xi32, #tpu.memory_space<hbm>>
    %dma_start3A_142 = tpu.memref_slice %arg3[%add3A_140] : memref<12800000xi32, #tpu.memory_space<hbm>> -> memref<2000xi32, #tpu.memory_space<hbm>>
    tpu.enqueue_dma source(%dma_start3A_142 : memref<2000xi32, #tpu.memory_space<hbm>>) target(%arg8 : memref<2000xi32, #tpu.memory_space<vmem>>) target_semaphore(%arg20 : memref<!tpu.dma_semaphore, #tpu.memory_space<semaphore_mem>>)
    %add3A_143 = arith.constant 6400000 : i32
    %add3A_144 = arith.addi %add3A_143, %add3A_140 : i32
    %dma_start3A_145 = tpu.memref_slice %arg3[%add3A_144] : memref<12800000xi32, #tpu.memory_space<hbm>> -> memref<2000xi32, #tpu.memory_space<hbm>>
    %dma_start3A_146 = tpu.memref_slice %arg3[%add3A_144] : memref<12800000xi32, #tpu.memory_space<hbm>> -> memref<2000xi32, #tpu.memory_space<hbm>>
    tpu.enqueue_dma source(%dma_start3A_146 : memref<2000xi32, #tpu.memory_space<hbm>>) target(%arg12 : memref<2000xi32, #tpu.memory_space<vmem>>) target_semaphore(%arg20 : memref<!tpu.dma_semaphore, #tpu.memory_space<semaphore_mem>>)
    %scan3A_147 = arith.constant 0 : i32
    %scan3A_148 = arith.constant 0 : i32
    %scan3A_149 = arith.constant 125 : i32
    %scan3A_150 = arith.addi %scan3A_148, %scan3A_149 : i32
    %scan3A_151 = arith.constant 1 : i32
    scf.for %scan3A_210 = %scan3A_148 to %scan3A_150 step %scan3A_151  : i32 {
      %mul3A_211 = arith.constant 16 : i32
      %mul3A_212 = arith.muli %scan3A_210, %mul3A_211 : i32
      %get3A = arith.index_cast %mul3A_212 : i32 to index
      %get3A_213 = tpu.vector_load %arg10[%get3A] {strides = array<i32>} : memref<2000xi32, #tpu.memory_space<vmem>>, vector<16xi32>,
      %gather3A = tpu.vector_load_idx %arg5[%get3A_213] : memref<100000xf32, #tpu.memory_space<vmem>>[vector<16xi32>], vector<16xf32>,
      %mul3A_214 = arith.constant 16 : i32
      %mul3A_215 = arith.muli %scan3A_210, %mul3A_214 : i32
      %swap3A = arith.index_cast %mul3A_215 : i32 to index
      %swap3A_216 = tpu.vector_load %arg18[%swap3A] {strides = array<i32>} : memref<2000xf32, #tpu.memory_space<vmem>>, vector<16xf32>,
      tpu.vector_store %arg18[%swap3A], %gather3A {strides = array<i32>} : memref<2000xf32, #tpu.memory_space<vmem>>, vector<16xf32>,
    }
    %scan3A_152 = arith.constant 125 : i32
    %dma_start3A_153 = arith.constant 0 : i32
    %dma_start3A_154 = tpu.memref_slice %arg6[%dma_start3A_153] : memref<100096xf32, #tpu.memory_space<vmem_shared>> -> memref<100096xf32, #tpu.memory_space<vmem_shared>>
    tpu.enqueue_indirect_dma source(%arg18 : memref<2000xf32, #tpu.memory_space<vmem>>) target(%dma_start3A_154 : memref<100096xf32, #tpu.memory_space<vmem_shared>>) offsets(%arg14 : memref<2000xi32, #tpu.memory_space<vmem>>) semaphore(%arg26 : memref<!tpu.dma_semaphore, #tpu.memory_space<semaphore_mem>>) {add = true}
    %scan3A_155 = arith.constant 0 : i32
    %scan3A_156 = arith.constant 1 : i32
    %scan3A_157 = arith.constant 24 : i32
    %scan3A_158 = arith.addi %scan3A_156, %scan3A_157 : i32
    %scan3A_159 = arith.constant 1 : i32
    scf.for %scan3A_210 = %scan3A_156 to %scan3A_158 step %scan3A_159  : i32 {
      %mul3A_211 = arith.constant 4 : i32
      %mul3A_212 = arith.muli %scan3A_210, %mul3A_211 : i32
      %add3A_213 = arith.constant 0 : i32
      %add3A_214 = arith.addi %mul3A_212, %add3A_213 : i32
      %dma_wait3A_215 = arith.constant 0 : i32
      %dma_wait3A_216 = tpu.memref_slice %arg3[%dma_wait3A_215] : memref<12800000xi32, #tpu.memory_space<hbm>> -> memref<2000xi32, #tpu.memory_space<hbm>>
      %dma_wait3A_217 = arith.constant 0 : i32
      %dma_wait3A_218 = tpu.memref_slice %arg3[%dma_wait3A_217] : memref<12800000xi32, #tpu.memory_space<hbm>> -> memref<2000xi32, #tpu.memory_space<hbm>>
      tpu.wait_dma2 semaphore(%arg19 : memref<!tpu.dma_semaphore, #tpu.memory_space<semaphore_mem>>) src(%dma_wait3A_218 : memref<2000xi32, #tpu.memory_space<hbm>>) dst(%arg7 : memref<2000xi32, #tpu.memory_space<vmem>>)
      %dma_wait3A_219 = arith.constant 0 : i32
      %dma_wait3A_220 = tpu.memref_slice %arg3[%dma_wait3A_219] : memref<12800000xi32, #tpu.memory_space<hbm>> -> memref<2000xi32, #tpu.memory_space<hbm>>
      %dma_wait3A_221 = arith.constant 0 : i32
      %dma_wait3A_222 = tpu.memref_slice %arg3[%dma_wait3A_221] : memref<12800000xi32, #tpu.memory_space<hbm>> -> memref<2000xi32, #tpu.memory_space<hbm>>
      tpu.wait_dma2 semaphore(%arg19 : memref<!tpu.dma_semaphore, #tpu.memory_space<semaphore_mem>>) src(%dma_wait3A_222 : memref<2000xi32, #tpu.memory_space<hbm>>) dst(%arg11 : memref<2000xi32, #tpu.memory_space<vmem>>)
      %dma_wait3A_223 = arith.constant 0 : i32
      %dma_wait3A_224 = tpu.memref_slice %arg6[%dma_wait3A_223] : memref<100096xf32, #tpu.memory_space<vmem_shared>> -> memref<100096xf32, #tpu.memory_space<vmem_shared>>
      tpu.wait_indirect_dma semaphore(%arg25 : memref<!tpu.dma_semaphore, #tpu.memory_space<semaphore_mem>>) src(%arg17 : memref<2000xf32, #tpu.memory_space<vmem>>) dst(%dma_wait3A_224 : memref<100096xf32, #tpu.memory_space<vmem_shared>>)
      %add3A_225 = arith.constant 2 : i32
      %add3A_226 = arith.addi %add3A_214, %add3A_225 : i32
      %rem3A_227 = arith.constant 100 : i32
      %rem3A_228 = arith.remsi %add3A_226, %rem3A_227 : i32
      %mul3A_229 = arith.constant 2000 : i32
      %mul3A_230 = arith.muli %rem3A_228, %mul3A_229 : i32
      %add3A_231 = arith.addi %mul3A_4, %mul3A_230 : i32
      %dma_start3A_232 = tpu.memref_slice %arg3[%add3A_231] : memref<12800000xi32, #tpu.memory_space<hbm>> -> memref<2000xi32, #tpu.memory_space<hbm>>
      %dma_start3A_233 = tpu.memref_slice %arg3[%add3A_231] : memref<12800000xi32, #tpu.memory_space<hbm>> -> memref<2000xi32, #tpu.memory_space<hbm>>
      tpu.enqueue_dma source(%dma_start3A_233 : memref<2000xi32, #tpu.memory_space<hbm>>) target(%arg9 : memref<2000xi32, #tpu.memory_space<vmem>>) target_semaphore(%arg21 : memref<!tpu.dma_semaphore, #tpu.memory_space<semaphore_mem>>)
      %add3A_234 = arith.constant 6400000 : i32
      %add3A_235 = arith.addi %add3A_234, %add3A_231 : i32
      %dma_start3A_236 = tpu.memref_slice %arg3[%add3A_235] : memref<12800000xi32, #tpu.memory_space<hbm>> -> memref<2000xi32, #tpu.memory_space<hbm>>
      %dma_start3A_237 = tpu.memref_slice %arg3[%add3A_235] : memref<12800000xi32, #tpu.memory_space<hbm>> -> memref<2000xi32, #tpu.memory_space<hbm>>
      tpu.enqueue_dma source(%dma_start3A_237 : memref<2000xi32, #tpu.memory_space<hbm>>) target(%arg13 : memref<2000xi32, #tpu.memory_space<vmem>>) target_semaphore(%arg21 : memref<!tpu.dma_semaphore, #tpu.memory_space<semaphore_mem>>)
      %scan3A_238 = arith.constant 0 : i32
      %scan3A_239 = arith.constant 0 : i32
      %scan3A_240 = arith.constant 125 : i32
      %scan3A_241 = arith.addi %scan3A_239, %scan3A_240 : i32
      %scan3A_242 = arith.constant 1 : i32
      scf.for %scan3A_345 = %scan3A_239 to %scan3A_241 step %scan3A_242  : i32 {
        %mul3A_346 = arith.constant 16 : i32
        %mul3A_347 = arith.muli %scan3A_345, %mul3A_346 : i32
        %get3A = arith.index_cast %mul3A_347 : i32 to index
        %get3A_348 = tpu.vector_load %arg7[%get3A] {strides = array<i32>} : memref<2000xi32, #tpu.memory_space<vmem>>, vector<16xi32>,
        %gather3A = tpu.vector_load_idx %arg5[%get3A_348] : memref<100000xf32, #tpu.memory_space<vmem>>[vector<16xi32>], vector<16xf32>,
        %mul3A_349 = arith.constant 16 : i32
        %mul3A_350 = arith.muli %scan3A_345, %mul3A_349 : i32
        %swap3A = arith.index_cast %mul3A_350 : i32 to index
        %swap3A_351 = tpu.vector_load %arg15[%swap3A] {strides = array<i32>} : memref<2000xf32, #tpu.memory_space<vmem>>, vector<16xf32>,
        tpu.vector_store %arg15[%swap3A], %gather3A {strides = array<i32>} : memref<2000xf32, #tpu.memory_space<vmem>>, vector<16xf32>,
      }
      %scan3A_243 = arith.constant 125 : i32
      %dma_start3A_244 = arith.constant 0 : i32
      %dma_start3A_245 = tpu.memref_slice %arg6[%dma_start3A_244] : memref<100096xf32, #tpu.memory_space<vmem_shared>> -> memref<100096xf32, #tpu.memory_space<vmem_shared>>
      tpu.enqueue_indirect_dma source(%arg15 : memref<2000xf32, #tpu.memory_space<vmem>>) target(%dma_start3A_245 : memref<100096xf32, #tpu.memory_space<vmem_shared>>) offsets(%arg11 : memref<2000xi32, #tpu.memory_space<vmem>>) semaphore(%arg23 : memref<!tpu.dma_semaphore, #tpu.memory_space<semaphore_mem>>) {add = true}
      %add3A_246 = arith.constant 1 : i32
      %add3A_247 = arith.addi %mul3A_212, %add3A_246 : i32
      %dma_wait3A_248 = arith.constant 0 : i32
      %dma_wait3A_249 = tpu.memref_slice %arg3[%dma_wait3A_248] : memref<12800000xi32, #tpu.memory_space<hbm>> -> memref<2000xi32, #tpu.memory_space<hbm>>
      %dma_wait3A_250 = arith.constant 0 : i32
      %dma_wait3A_251 = tpu.memref_slice %arg3[%dma_wait3A_250] : memref<12800000xi32, #tpu.memory_space<hbm>> -> memref<2000xi32, #tpu.memory_space<hbm>>
      tpu.wait_dma2 semaphore(%arg20 : memref<!tpu.dma_semaphore, #tpu.memory_space<semaphore_mem>>) src(%dma_wait3A_251 : memref<2000xi32, #tpu.memory_space<hbm>>) dst(%arg8 : memref<2000xi32, #tpu.memory_space<vmem>>)
      %dma_wait3A_252 = arith.constant 0 : i32
      %dma_wait3A_253 = tpu.memref_slice %arg3[%dma_wait3A_252] : memref<12800000xi32, #tpu.memory_space<hbm>> -> memref<2000xi32, #tpu.memory_space<hbm>>
      %dma_wait3A_254 = arith.constant 0 : i32
      %dma_wait3A_255 = tpu.memref_slice %arg3[%dma_wait3A_254] : memref<12800000xi32, #tpu.memory_space<hbm>> -> memref<2000xi32, #tpu.memory_space<hbm>>
      tpu.wait_dma2 semaphore(%arg20 : memref<!tpu.dma_semaphore, #tpu.memory_space<semaphore_mem>>) src(%dma_wait3A_255 : memref<2000xi32, #tpu.memory_space<hbm>>) dst(%arg12 : memref<2000xi32, #tpu.memory_space<vmem>>)
      %dma_wait3A_256 = arith.constant 0 : i32
      %dma_wait3A_257 = tpu.memref_slice %arg6[%dma_wait3A_256] : memref<100096xf32, #tpu.memory_space<vmem_shared>> -> memref<100096xf32, #tpu.memory_space<vmem_shared>>
      tpu.wait_indirect_dma semaphore(%arg26 : memref<!tpu.dma_semaphore, #tpu.memory_space<semaphore_mem>>) src(%arg18 : memref<2000xf32, #tpu.memory_space<vmem>>) dst(%dma_wait3A_257 : memref<100096xf32, #tpu.memory_space<vmem_shared>>)
      %add3A_258 = arith.constant 2 : i32
      %add3A_259 = arith.addi %add3A_247, %add3A_258 : i32
      %rem3A_260 = arith.constant 100 : i32
      %rem3A_261 = arith.remsi %add3A_259, %rem3A_260 : i32
      %mul3A_262 = arith.constant 2000 : i32
      %mul3A_263 = arith.muli %rem3A_261, %mul3A_262 : i32
      %add3A_264 = arith.addi %mul3A_4, %mul3A_263 : i32
      %dma_start3A_265 = tpu.memref_slice %arg3[%add3A_264] : memref<12800000xi32, #tpu.memory_space<hbm>> -> memref<2000xi32, #tpu.memory_space<hbm>>
      %dma_start3A_266 = tpu.memref_slice %arg3[%add3A_264] : memref<12800000xi32, #tpu.memory_space<hbm>> -> memref<2000xi32, #tpu.memory_space<hbm>>
      tpu.enqueue_dma source(%dma_start3A_266 : memref<2000xi32, #tpu.memory_space<hbm>>) target(%arg10 : memref<2000xi32, #tpu.memory_space<vmem>>) target_semaphore(%arg22 : memref<!tpu.dma_semaphore, #tpu.memory_space<semaphore_mem>>)
      %add3A_267 = arith.constant 6400000 : i32
      %add3A_268 = arith.addi %add3A_267, %add3A_264 : i32
      %dma_start3A_269 = tpu.memref_slice %arg3[%add3A_268] : memref<12800000xi32, #tpu.memory_space<hbm>> -> memref<2000xi32, #tpu.memory_space<hbm>>
      %dma_start3A_270 = tpu.memref_slice %arg3[%add3A_268] : memref<12800000xi32, #tpu.memory_space<hbm>> -> memref<2000xi32, #tpu.memory_space<hbm>>
      tpu.enqueue_dma source(%dma_start3A_270 : memref<2000xi32, #tpu.memory_space<hbm>>) target(%arg14 : memref<2000xi32, #tpu.memory_space<vmem>>) target_semaphore(%arg22 : memref<!tpu.dma_semaphore, #tpu.memory_space<semaphore_mem>>)
      %scan3A_271 = arith.constant 0 : i32
      %scan3A_272 = arith.constant 0 : i32
      %scan3A_273 = arith.constant 125 : i32
      %scan3A_274 = arith.addi %scan3A_272, %scan3A_273 : i32
      %scan3A_275 = arith.constant 1 : i32
      scf.for %scan3A_345 = %scan3A_272 to %scan3A_274 step %scan3A_275  : i32 {
        %mul3A_346 = arith.constant 16 : i32
        %mul3A_347 = arith.muli %scan3A_345, %mul3A_346 : i32
        %get3A = arith.index_cast %mul3A_347 : i32 to index
        %get3A_348 = tpu.vector_load %arg8[%get3A] {strides = array<i32>} : memref<2000xi32, #tpu.memory_space<vmem>>, vector<16xi32>,
        %gather3A = tpu.vector_load_idx %arg5[%get3A_348] : memref<100000xf32, #tpu.memory_space<vmem>>[vector<16xi32>], vector<16xf32>,
        %mul3A_349 = arith.constant 16 : i32
        %mul3A_350 = arith.muli %scan3A_345, %mul3A_349 : i32
        %swap3A = arith.index_cast %mul3A_350 : i32 to index
        %swap3A_351 = tpu.vector_load %arg16[%swap3A] {strides = array<i32>} : memref<2000xf32, #tpu.memory_space<vmem>>, vector<16xf32>,
        tpu.vector_store %arg16[%swap3A], %gather3A {strides = array<i32>} : memref<2000xf32, #tpu.memory_space<vmem>>, vector<16xf32>,
      }
      %scan3A_276 = arith.constant 125 : i32
      %dma_start3A_277 = arith.constant 0 : i32
      %dma_start3A_278 = tpu.memref_slice %arg6[%dma_start3A_277] : memref<100096xf32, #tpu.memory_space<vmem_shared>> -> memref<100096xf32, #tpu.memory_space<vmem_shared>>
      tpu.enqueue_indirect_dma source(%arg16 : memref<2000xf32, #tpu.memory_space<vmem>>) target(%dma_start3A_278 : memref<100096xf32, #tpu.memory_space<vmem_shared>>) offsets(%arg12 : memref<2000xi32, #tpu.memory_space<vmem>>) semaphore(%arg24 : memref<!tpu.dma_semaphore, #tpu.memory_space<semaphore_mem>>) {add = true}
      %add3A_279 = arith.constant 2 : i32
      %add3A_280 = arith.addi %mul3A_212, %add3A_279 : i32
      %dma_wait3A_281 = arith.constant 0 : i32
      %dma_wait3A_282 = tpu.memref_slice %arg3[%dma_wait3A_281] : memref<12800000xi32, #tpu.memory_space<hbm>> -> memref<2000xi32, #tpu.memory_space<hbm>>
      %dma_wait3A_283 = arith.constant 0 : i32
      %dma_wait3A_284 = tpu.memref_slice %arg3[%dma_wait3A_283] : memref<12800000xi32, #tpu.memory_space<hbm>> -> memref<2000xi32, #tpu.memory_space<hbm>>
      tpu.wait_dma2 semaphore(%arg21 : memref<!tpu.dma_semaphore, #tpu.memory_space<semaphore_mem>>) src(%dma_wait3A_284 : memref<2000xi32, #tpu.memory_space<hbm>>) dst(%arg9 : memref<2000xi32, #tpu.memory_space<vmem>>)
      %dma_wait3A_285 = arith.constant 0 : i32
      %dma_wait3A_286 = tpu.memref_slice %arg3[%dma_wait3A_285] : memref<12800000xi32, #tpu.memory_space<hbm>> -> memref<2000xi32, #tpu.memory_space<hbm>>
      %dma_wait3A_287 = arith.constant 0 : i32
      %dma_wait3A_288 = tpu.memref_slice %arg3[%dma_wait3A_287] : memref<12800000xi32, #tpu.memory_space<hbm>> -> memref<2000xi32, #tpu.memory_space<hbm>>
      tpu.wait_dma2 semaphore(%arg21 : memref<!tpu.dma_semaphore, #tpu.memory_space<semaphore_mem>>) src(%dma_wait3A_288 : memref<2000xi32, #tpu.memory_space<hbm>>) dst(%arg13 : memref<2000xi32, #tpu.memory_space<vmem>>)
      %dma_wait3A_289 = arith.constant 0 : i32
      %dma_wait3A_290 = tpu.memref_slice %arg6[%dma_wait3A_289] : memref<100096xf32, #tpu.memory_space<vmem_shared>> -> memref<100096xf32, #tpu.memory_space<vmem_shared>>
      tpu.wait_indirect_dma semaphore(%arg23 : memref<!tpu.dma_semaphore, #tpu.memory_space<semaphore_mem>>) src(%arg15 : memref<2000xf32, #tpu.memory_space<vmem>>) dst(%dma_wait3A_290 : memref<100096xf32, #tpu.memory_space<vmem_shared>>)
      %add3A_291 = arith.constant 2 : i32
      %add3A_292 = arith.addi %add3A_280, %add3A_291 : i32
      %rem3A_293 = arith.constant 100 : i32
      %rem3A_294 = arith.remsi %add3A_292, %rem3A_293 : i32
      %mul3A_295 = arith.constant 2000 : i32
      %mul3A_296 = arith.muli %rem3A_294, %mul3A_295 : i32
      %add3A_297 = arith.addi %mul3A_4, %mul3A_296 : i32
      %dma_start3A_298 = tpu.memref_slice %arg3[%add3A_297] : memref<12800000xi32, #tpu.memory_space<hbm>> -> memref<2000xi32, #tpu.memory_space<hbm>>
      %dma_start3A_299 = tpu.memref_slice %arg3[%add3A_297] : memref<12800000xi32, #tpu.memory_space<hbm>> -> memref<2000xi32, #tpu.memory_space<hbm>>
      tpu.enqueue_dma source(%dma_start3A_299 : memref<2000xi32, #tpu.memory_space<hbm>>) target(%arg7 : memref<2000xi32, #tpu.memory_space<vmem>>) target_semaphore(%arg19 : memref<!tpu.dma_semaphore, #tpu.memory_space<semaphore_mem>>)
      %add3A_300 = arith.constant 6400000 : i32
      %add3A_301 = arith.addi %add3A_300, %add3A_297 : i32
      %dma_start3A_302 = tpu.memref_slice %arg3[%add3A_301] : memref<12800000xi32, #tpu.memory_space<hbm>> -> memref<2000xi32, #tpu.memory_space<hbm>>
      %dma_start3A_303 = tpu.memref_slice %arg3[%add3A_301] : memref<12800000xi32, #tpu.memory_space<hbm>> -> memref<2000xi32, #tpu.memory_space<hbm>>
      tpu.enqueue_dma source(%dma_start3A_303 : memref<2000xi32, #tpu.memory_space<hbm>>) target(%arg11 : memref<2000xi32, #tpu.memory_space<vmem>>) target_semaphore(%arg19 : memref<!tpu.dma_semaphore, #tpu.memory_space<semaphore_mem>>)
      %scan3A_304 = arith.constant 0 : i32
      %scan3A_305 = arith.constant 0 : i32
      %scan3A_306 = arith.constant 125 : i32
      %scan3A_307 = arith.addi %scan3A_305, %scan3A_306 : i32
      %scan3A_308 = arith.constant 1 : i32
      scf.for %scan3A_345 = %scan3A_305 to %scan3A_307 step %scan3A_308  : i32 {
        %mul3A_346 = arith.constant 16 : i32
        %mul3A_347 = arith.muli %scan3A_345, %mul3A_346 : i32
        %get3A = arith.index_cast %mul3A_347 : i32 to index
        %get3A_348 = tpu.vector_load %arg9[%get3A] {strides = array<i32>} : memref<2000xi32, #tpu.memory_space<vmem>>, vector<16xi32>,
        %gather3A = tpu.vector_load_idx %arg5[%get3A_348] : memref<100000xf32, #tpu.memory_space<vmem>>[vector<16xi32>], vector<16xf32>,
        %mul3A_349 = arith.constant 16 : i32
        %mul3A_350 = arith.muli %scan3A_345, %mul3A_349 : i32
        %swap3A = arith.index_cast %mul3A_350 : i32 to index
        %swap3A_351 = tpu.vector_load %arg17[%swap3A] {strides = array<i32>} : memref<2000xf32, #tpu.memory_space<vmem>>, vector<16xf32>,
        tpu.vector_store %arg17[%swap3A], %gather3A {strides = array<i32>} : memref<2000xf32, #tpu.memory_space<vmem>>, vector<16xf32>,
      }
      %scan3A_309 = arith.constant 125 : i32
      %dma_start3A_310 = arith.constant 0 : i32
      %dma_start3A_311 = tpu.memref_slice %arg6[%dma_start3A_310] : memref<100096xf32, #tpu.memory_space<vmem_shared>> -> memref<100096xf32, #tpu.memory_space<vmem_shared>>
      tpu.enqueue_indirect_dma source(%arg17 : memref<2000xf32, #tpu.memory_space<vmem>>) target(%dma_start3A_311 : memref<100096xf32, #tpu.memory_space<vmem_shared>>) offsets(%arg13 : memref<2000xi32, #tpu.memory_space<vmem>>) semaphore(%arg25 : memref<!tpu.dma_semaphore, #tpu.memory_space<semaphore_mem>>) {add = true}
      %add3A_312 = arith.constant 3 : i32
      %add3A_313 = arith.addi %mul3A_212, %add3A_312 : i32
      %dma_wait3A_314 = arith.constant 0 : i32
      %dma_wait3A_315 = tpu.memref_slice %arg3[%dma_wait3A_314] : memref<12800000xi32, #tpu.memory_space<hbm>> -> memref<2000xi32, #tpu.memory_space<hbm>>
      %dma_wait3A_316 = arith.constant 0 : i32
      %dma_wait3A_317 = tpu.memref_slice %arg3[%dma_wait3A_316] : memref<12800000xi32, #tpu.memory_space<hbm>> -> memref<2000xi32, #tpu.memory_space<hbm>>
      tpu.wait_dma2 semaphore(%arg22 : memref<!tpu.dma_semaphore, #tpu.memory_space<semaphore_mem>>) src(%dma_wait3A_317 : memref<2000xi32, #tpu.memory_space<hbm>>) dst(%arg10 : memref<2000xi32, #tpu.memory_space<vmem>>)
      %dma_wait3A_318 = arith.constant 0 : i32
      %dma_wait3A_319 = tpu.memref_slice %arg3[%dma_wait3A_318] : memref<12800000xi32, #tpu.memory_space<hbm>> -> memref<2000xi32, #tpu.memory_space<hbm>>
      %dma_wait3A_320 = arith.constant 0 : i32
      %dma_wait3A_321 = tpu.memref_slice %arg3[%dma_wait3A_320] : memref<12800000xi32, #tpu.memory_space<hbm>> -> memref<2000xi32, #tpu.memory_space<hbm>>
      tpu.wait_dma2 semaphore(%arg22 : memref<!tpu.dma_semaphore, #tpu.memory_space<semaphore_mem>>) src(%dma_wait3A_321 : memref<2000xi32, #tpu.memory_space<hbm>>) dst(%arg14 : memref<2000xi32, #tpu.memory_space<vmem>>)
      %dma_wait3A_322 = arith.constant 0 : i32
      %dma_wait3A_323 = tpu.memref_slice %arg6[%dma_wait3A_322] : memref<100096xf32, #tpu.memory_space<vmem_shared>> -> memref<100096xf32, #tpu.memory_space<vmem_shared>>
      tpu.wait_indirect_dma semaphore(%arg24 : memref<!tpu.dma_semaphore, #tpu.memory_space<semaphore_mem>>) src(%arg16 : memref<2000xf32, #tpu.memory_space<vmem>>) dst(%dma_wait3A_323 : memref<100096xf32, #tpu.memory_space<vmem_shared>>)
      %add3A_324 = arith.constant 2 : i32
      %add3A_325 = arith.addi %add3A_313, %add3A_324 : i32
      %rem3A_326 = arith.constant 100 : i32
      %rem3A_327 = arith.remsi %add3A_325, %rem3A_326 : i32
      %mul3A_328 = arith.constant 2000 : i32
      %mul3A_329 = arith.muli %rem3A_327, %mul3A_328 : i32
      %add3A_330 = arith.addi %mul3A_4, %mul3A_329 : i32
      %dma_start3A_331 = tpu.memref_slice %arg3[%add3A_330] : memref<12800000xi32, #tpu.memory_space<hbm>> -> memref<2000xi32, #tpu.memory_space<hbm>>
      %dma_start3A_332 = tpu.memref_slice %arg3[%add3A_330] : memref<12800000xi32, #tpu.memory_space<hbm>> -> memref<2000xi32, #tpu.memory_space<hbm>>
      tpu.enqueue_dma source(%dma_start3A_332 : memref<2000xi32, #tpu.memory_space<hbm>>) target(%arg8 : memref<2000xi32, #tpu.memory_space<vmem>>) target_semaphore(%arg20 : memref<!tpu.dma_semaphore, #tpu.memory_space<semaphore_mem>>)
      %add3A_333 = arith.constant 6400000 : i32
      %add3A_334 = arith.addi %add3A_333, %add3A_330 : i32
      %dma_start3A_335 = tpu.memref_slice %arg3[%add3A_334] : memref<12800000xi32, #tpu.memory_space<hbm>> -> memref<2000xi32, #tpu.memory_space<hbm>>
      %dma_start3A_336 = tpu.memref_slice %arg3[%add3A_334] : memref<12800000xi32, #tpu.memory_space<hbm>> -> memref<2000xi32, #tpu.memory_space<hbm>>
      tpu.enqueue_dma source(%dma_start3A_336 : memref<2000xi32, #tpu.memory_space<hbm>>) target(%arg12 : memref<2000xi32, #tpu.memory_space<vmem>>) target_semaphore(%arg20 : memref<!tpu.dma_semaphore, #tpu.memory_space<semaphore_mem>>)
      %scan3A_337 = arith.constant 0 : i32
      %scan3A_338 = arith.constant 0 : i32
      %scan3A_339 = arith.constant 125 : i32
      %scan3A_340 = arith.addi %scan3A_338, %scan3A_339 : i32
      %scan3A_341 = arith.constant 1 : i32
      scf.for %scan3A_345 = %scan3A_338 to %scan3A_340 step %scan3A_341  : i32 {
        %mul3A_346 = arith.constant 16 : i32
        %mul3A_347 = arith.muli %scan3A_345, %mul3A_346 : i32
        %get3A = arith.index_cast %mul3A_347 : i32 to index
        %get3A_348 = tpu.vector_load %arg10[%get3A] {strides = array<i32>} : memref<2000xi32, #tpu.memory_space<vmem>>, vector<16xi32>,
        %gather3A = tpu.vector_load_idx %arg5[%get3A_348] : memref<100000xf32, #tpu.memory_space<vmem>>[vector<16xi32>], vector<16xf32>,
        %mul3A_349 = arith.constant 16 : i32
        %mul3A_350 = arith.muli %scan3A_345, %mul3A_349 : i32
        %swap3A = arith.index_cast %mul3A_350 : i32 to index
        %swap3A_351 = tpu.vector_load %arg18[%swap3A] {strides = array<i32>} : memref<2000xf32, #tpu.memory_space<vmem>>, vector<16xf32>,
        tpu.vector_store %arg18[%swap3A], %gather3A {strides = array<i32>} : memref<2000xf32, #tpu.memory_space<vmem>>, vector<16xf32>,
      }
      %scan3A_342 = arith.constant 125 : i32
      %dma_start3A_343 = arith.constant 0 : i32
      %dma_start3A_344 = tpu.memref_slice %arg6[%dma_start3A_343] : memref<100096xf32, #tpu.memory_space<vmem_shared>> -> memref<100096xf32, #tpu.memory_space<vmem_shared>>
      tpu.enqueue_indirect_dma source(%arg18 : memref<2000xf32, #tpu.memory_space<vmem>>) target(%dma_start3A_344 : memref<100096xf32, #tpu.memory_space<vmem_shared>>) offsets(%arg14 : memref<2000xi32, #tpu.memory_space<vmem>>) semaphore(%arg26 : memref<!tpu.dma_semaphore, #tpu.memory_space<semaphore_mem>>) {add = true}
    }
    %scan3A_160 = arith.constant 24 : i32
    %dma_wait3A_161 = arith.constant 0 : i32
    %dma_wait3A_162 = tpu.memref_slice %arg3[%dma_wait3A_161] : memref<12800000xi32, #tpu.memory_space<hbm>> -> memref<2000xi32, #tpu.memory_space<hbm>>
    %dma_wait3A_163 = arith.constant 0 : i32
    %dma_wait3A_164 = tpu.memref_slice %arg3[%dma_wait3A_163] : memref<12800000xi32, #tpu.memory_space<hbm>> -> memref<2000xi32, #tpu.memory_space<hbm>>
    tpu.wait_dma2 semaphore(%arg19 : memref<!tpu.dma_semaphore, #tpu.memory_space<semaphore_mem>>) src(%dma_wait3A_164 : memref<2000xi32, #tpu.memory_space<hbm>>) dst(%arg7 : memref<2000xi32, #tpu.memory_space<vmem>>)
    %dma_wait3A_165 = arith.constant 0 : i32
    %dma_wait3A_166 = tpu.memref_slice %arg3[%dma_wait3A_165] : memref<12800000xi32, #tpu.memory_space<hbm>> -> memref<2000xi32, #tpu.memory_space<hbm>>
    %dma_wait3A_167 = arith.constant 0 : i32
    %dma_wait3A_168 = tpu.memref_slice %arg3[%dma_wait3A_167] : memref<12800000xi32, #tpu.memory_space<hbm>> -> memref<2000xi32, #tpu.memory_space<hbm>>
    tpu.wait_dma2 semaphore(%arg19 : memref<!tpu.dma_semaphore, #tpu.memory_space<semaphore_mem>>) src(%dma_wait3A_168 : memref<2000xi32, #tpu.memory_space<hbm>>) dst(%arg11 : memref<2000xi32, #tpu.memory_space<vmem>>)
    %dma_wait3A_169 = arith.constant 0 : i32
    %dma_wait3A_170 = tpu.memref_slice %arg3[%dma_wait3A_169] : memref<12800000xi32, #tpu.memory_space<hbm>> -> memref<2000xi32, #tpu.memory_space<hbm>>
    %dma_wait3A_171 = arith.constant 0 : i32
    %dma_wait3A_172 = tpu.memref_slice %arg3[%dma_wait3A_171] : memref<12800000xi32, #tpu.memory_space<hbm>> -> memref<2000xi32, #tpu.memory_space<hbm>>
    tpu.wait_dma2 semaphore(%arg20 : memref<!tpu.dma_semaphore, #tpu.memory_space<semaphore_mem>>) src(%dma_wait3A_172 : memref<2000xi32, #tpu.memory_space<hbm>>) dst(%arg8 : memref<2000xi32, #tpu.memory_space<vmem>>)
    %dma_wait3A_173 = arith.constant 0 : i32
    %dma_wait3A_174 = tpu.memref_slice %arg3[%dma_wait3A_173] : memref<12800000xi32, #tpu.memory_space<hbm>> -> memref<2000xi32, #tpu.memory_space<hbm>>
    %dma_wait3A_175 = arith.constant 0 : i32
    %dma_wait3A_176 = tpu.memref_slice %arg3[%dma_wait3A_175] : memref<12800000xi32, #tpu.memory_space<hbm>> -> memref<2000xi32, #tpu.memory_space<hbm>>
    tpu.wait_dma2 semaphore(%arg20 : memref<!tpu.dma_semaphore, #tpu.memory_space<semaphore_mem>>) src(%dma_wait3A_176 : memref<2000xi32, #tpu.memory_space<hbm>>) dst(%arg12 : memref<2000xi32, #tpu.memory_space<vmem>>)
    %dma_wait3A_177 = arith.constant 0 : i32
    %dma_wait3A_178 = tpu.memref_slice %arg6[%dma_wait3A_177] : memref<100096xf32, #tpu.memory_space<vmem_shared>> -> memref<100096xf32, #tpu.memory_space<vmem_shared>>
    tpu.wait_indirect_dma semaphore(%arg25 : memref<!tpu.dma_semaphore, #tpu.memory_space<semaphore_mem>>) src(%arg17 : memref<2000xf32, #tpu.memory_space<vmem>>) dst(%dma_wait3A_178 : memref<100096xf32, #tpu.memory_space<vmem_shared>>)
    %dma_wait3A_179 = arith.constant 0 : i32
    %dma_wait3A_180 = tpu.memref_slice %arg6[%dma_wait3A_179] : memref<100096xf32, #tpu.memory_space<vmem_shared>> -> memref<100096xf32, #tpu.memory_space<vmem_shared>>
    tpu.wait_indirect_dma semaphore(%arg26 : memref<!tpu.dma_semaphore, #tpu.memory_space<semaphore_mem>>) src(%arg18 : memref<2000xf32, #tpu.memory_space<vmem>>) dst(%dma_wait3A_180 : memref<100096xf32, #tpu.memory_space<vmem_shared>>)
    %barrier3A_181 = arith.constant 0 : index
    tpu.barrier barrier_id(%barrier3A_181)
    %add3A_182 = arith.constant 0 : i32
    %add3A_183 = arith.addi %mul3A_2, %add3A_182 : i32
    "tpu.region"() ({
      %run_scoped3A = tpu.sem_alloc : memref<!tpu.dma_semaphore, #tpu.memory_space<semaphore_mem>>
      %dma_start3A_210 = arith.constant 0 : i32
      %dma_start3A_211 = tpu.memref_slice %arg15[%dma_start3A_210] : memref<2000xf32, #tpu.memory_space<vmem>> -> memref<2000xf32, #tpu.memory_space<vmem>>
      %dma_start3A_212 = tpu.memref_slice %arg6[%add3A_183] : memref<100096xf32, #tpu.memory_space<vmem_shared>> -> memref<2000xf32, #tpu.memory_space<vmem_shared>>
      %dma_start3A_213 = arith.constant 0 : i32
      %dma_start3A_214 = tpu.memref_slice %arg15[%dma_start3A_213] : memref<2000xf32, #tpu.memory_space<vmem>> -> memref<2000xf32, #tpu.memory_space<vmem>>
      %dma_start3A_215 = tpu.memref_slice %arg6[%add3A_183] : memref<100096xf32, #tpu.memory_space<vmem_shared>> -> memref<2000xf32, #tpu.memory_space<vmem_shared>>
      tpu.enqueue_dma source(%dma_start3A_215 : memref<2000xf32, #tpu.memory_space<vmem_shared>>) target(%dma_start3A_214 : memref<2000xf32, #tpu.memory_space<vmem>>) target_semaphore(%run_scoped3A : memref<!tpu.dma_semaphore, #tpu.memory_space<semaphore_mem>>)
      %dma_wait3A_216 = arith.constant 0 : i32
      %dma_wait3A_217 = tpu.memref_slice %arg15[%dma_wait3A_216] : memref<2000xf32, #tpu.memory_space<vmem>> -> memref<2000xf32, #tpu.memory_space<vmem>>
      %dma_wait3A_218 = tpu.memref_slice %arg6[%add3A_183] : memref<100096xf32, #tpu.memory_space<vmem_shared>> -> memref<2000xf32, #tpu.memory_space<vmem_shared>>
      %dma_wait3A_219 = arith.constant 0 : i32
      %dma_wait3A_220 = tpu.memref_slice %arg15[%dma_wait3A_219] : memref<2000xf32, #tpu.memory_space<vmem>> -> memref<2000xf32, #tpu.memory_space<vmem>>
      %dma_wait3A_221 = tpu.memref_slice %arg6[%add3A_183] : memref<100096xf32, #tpu.memory_space<vmem_shared>> -> memref<2000xf32, #tpu.memory_space<vmem_shared>>
      tpu.wait_dma2 semaphore(%run_scoped3A : memref<!tpu.dma_semaphore, #tpu.memory_space<semaphore_mem>>) src(%dma_wait3A_221 : memref<2000xf32, #tpu.memory_space<vmem_shared>>) dst(%dma_wait3A_220 : memref<2000xf32, #tpu.memory_space<vmem>>)
      tpu.yield
    }) : () -> ()
    %mul3A_184 = arith.constant 100096 : i32
    %mul3A_185 = arith.muli %arg0, %mul3A_184 : i32
    %add3A_186 = arith.addi %mul3A_185, %mul3A_2 : i32
    %add3A_187 = arith.constant 0 : i32
    %add3A_188 = arith.addi %add3A_186, %add3A_187 : i32
    "tpu.region"() ({
      %run_scoped3A = tpu.sem_alloc : memref<!tpu.dma_semaphore, #tpu.memory_space<semaphore_mem>>
      %dma_start3A_210 = arith.constant 0 : i32
      %dma_start3A_211 = tpu.memref_slice %arg15[%dma_start3A_210] : memref<2000xf32, #tpu.memory_space<vmem>> -> memref<2000xf32, #tpu.memory_space<vmem>>
      %dma_start3A_212 = tpu.memref_slice %arg4[%add3A_188] : memref<200192xf32, #tpu.memory_space<hbm>> -> memref<2000xf32, #tpu.memory_space<hbm>>
      %dma_start3A_213 = tpu.memref_slice %arg4[%add3A_188] : memref<200192xf32, #tpu.memory_space<hbm>> -> memref<2000xf32, #tpu.memory_space<hbm>>
      %dma_start3A_214 = arith.constant 0 : i32
      %dma_start3A_215 = tpu.memref_slice %arg15[%dma_start3A_214] : memref<2000xf32, #tpu.memory_space<vmem>> -> memref<2000xf32, #tpu.memory_space<vmem>>
      tpu.enqueue_dma source(%dma_start3A_215 : memref<2000xf32, #tpu.memory_space<vmem>>) target(%dma_start3A_213 : memref<2000xf32, #tpu.memory_space<hbm>>) target_semaphore(%run_scoped3A : memref<!tpu.dma_semaphore, #tpu.memory_space<semaphore_mem>>)
      %dma_wait3A_216 = arith.constant 0 : i32
      %dma_wait3A_217 = tpu.memref_slice %arg15[%dma_wait3A_216] : memref<2000xf32, #tpu.memory_space<vmem>> -> memref<2000xf32, #tpu.memory_space<vmem>>
      %dma_wait3A_218 = tpu.memref_slice %arg4[%add3A_188] : memref<200192xf32, #tpu.memory_space<hbm>> -> memref<2000xf32, #tpu.memory_space<hbm>>
      %dma_wait3A_219 = tpu.memref_slice %arg4[%add3A_188] : memref<200192xf32, #tpu.memory_space<hbm>> -> memref<2000xf32, #tpu.memory_space<hbm>>
      %dma_wait3A_220 = arith.constant 0 : i32
      %dma_wait3A_221 = tpu.memref_slice %arg15[%dma_wait3A_220] : memref<2000xf32, #tpu.memory_space<vmem>> -> memref<2000xf32, #tpu.memory_space<vmem>>
      tpu.wait_dma2 semaphore(%run_scoped3A : memref<!tpu.dma_semaphore, #tpu.memory_space<semaphore_mem>>) src(%dma_wait3A_221 : memref<2000xf32, #tpu.memory_space<vmem>>) dst(%dma_wait3A_219 : memref<2000xf32, #tpu.memory_space<hbm>>)
      tpu.yield
    }) : () -> ()
    %add3A_189 = arith.constant 2000 : i32
    %add3A_190 = arith.addi %mul3A_2, %add3A_189 : i32
    "tpu.region"() ({
      %run_scoped3A = tpu.sem_alloc : memref<!tpu.dma_semaphore, #tpu.memory_space<semaphore_mem>>
      %dma_start3A_210 = arith.constant 0 : i32
      %dma_start3A_211 = tpu.memref_slice %arg15[%dma_start3A_210] : memref<2000xf32, #tpu.memory_space<vmem>> -> memref<2000xf32, #tpu.memory_space<vmem>>
      %dma_start3A_212 = tpu.memref_slice %arg6[%add3A_190] : memref<100096xf32, #tpu.memory_space<vmem_shared>> -> memref<2000xf32, #tpu.memory_space<vmem_shared>>
      %dma_start3A_213 = arith.constant 0 : i32
      %dma_start3A_214 = tpu.memref_slice %arg15[%dma_start3A_213] : memref<2000xf32, #tpu.memory_space<vmem>> -> memref<2000xf32, #tpu.memory_space<vmem>>
      %dma_start3A_215 = tpu.memref_slice %arg6[%add3A_190] : memref<100096xf32, #tpu.memory_space<vmem_shared>> -> memref<2000xf32, #tpu.memory_space<vmem_shared>>
      tpu.enqueue_dma source(%dma_start3A_215 : memref<2000xf32, #tpu.memory_space<vmem_shared>>) target(%dma_start3A_214 : memref<2000xf32, #tpu.memory_space<vmem>>) target_semaphore(%run_scoped3A : memref<!tpu.dma_semaphore, #tpu.memory_space<semaphore_mem>>)
      %dma_wait3A_216 = arith.constant 0 : i32
      %dma_wait3A_217 = tpu.memref_slice %arg15[%dma_wait3A_216] : memref<2000xf32, #tpu.memory_space<vmem>> -> memref<2000xf32, #tpu.memory_space<vmem>>
      %dma_wait3A_218 = tpu.memref_slice %arg6[%add3A_190] : memref<100096xf32, #tpu.memory_space<vmem_shared>> -> memref<2000xf32, #tpu.memory_space<vmem_shared>>
      %dma_wait3A_219 = arith.constant 0 : i32
      %dma_wait3A_220 = tpu.memref_slice %arg15[%dma_wait3A_219] : memref<2000xf32, #tpu.memory_space<vmem>> -> memref<2000xf32, #tpu.memory_space<vmem>>
      %dma_wait3A_221 = tpu.memref_slice %arg6[%add3A_190] : memref<100096xf32, #tpu.memory_space<vmem_shared>> -> memref<2000xf32, #tpu.memory_space<vmem_shared>>
      tpu.wait_dma2 semaphore(%run_scoped3A : memref<!tpu.dma_semaphore, #tpu.memory_space<semaphore_mem>>) src(%dma_wait3A_221 : memref<2000xf32, #tpu.memory_space<vmem_shared>>) dst(%dma_wait3A_220 : memref<2000xf32, #tpu.memory_space<vmem>>)
      tpu.yield
    }) : () -> ()
    %mul3A_191 = arith.constant 100096 : i32
    %mul3A_192 = arith.muli %arg0, %mul3A_191 : i32
    %add3A_193 = arith.addi %mul3A_192, %mul3A_2 : i32
    %add3A_194 = arith.constant 2000 : i32
    %add3A_195 = arith.addi %add3A_193, %add3A_194 : i32
    "tpu.region"() ({
      %run_scoped3A = tpu.sem_alloc : memref<!tpu.dma_semaphore, #tpu.memory_space<semaphore_mem>>
      %dma_start3A_210 = arith.constant 0 : i32
      %dma_start3A_211 = tpu.memref_slice %arg15[%dma_start3A_210] : memref<2000xf32, #tpu.memory_space<vmem>> -> memref<2000xf32, #tpu.memory_space<vmem>>
      %dma_start3A_212 = tpu.memref_slice %arg4[%add3A_195] : memref<200192xf32, #tpu.memory_space<hbm>> -> memref<2000xf32, #tpu.memory_space<hbm>>
      %dma_start3A_213 = tpu.memref_slice %arg4[%add3A_195] : memref<200192xf32, #tpu.memory_space<hbm>> -> memref<2000xf32, #tpu.memory_space<hbm>>
      %dma_start3A_214 = arith.constant 0 : i32
      %dma_start3A_215 = tpu.memref_slice %arg15[%dma_start3A_214] : memref<2000xf32, #tpu.memory_space<vmem>> -> memref<2000xf32, #tpu.memory_space<vmem>>
      tpu.enqueue_dma source(%dma_start3A_215 : memref<2000xf32, #tpu.memory_space<vmem>>) target(%dma_start3A_213 : memref<2000xf32, #tpu.memory_space<hbm>>) target_semaphore(%run_scoped3A : memref<!tpu.dma_semaphore, #tpu.memory_space<semaphore_mem>>)
      %dma_wait3A_216 = arith.constant 0 : i32
      %dma_wait3A_217 = tpu.memref_slice %arg15[%dma_wait3A_216] : memref<2000xf32, #tpu.memory_space<vmem>> -> memref<2000xf32, #tpu.memory_space<vmem>>
      %dma_wait3A_218 = tpu.memref_slice %arg4[%add3A_195] : memref<200192xf32, #tpu.memory_space<hbm>> -> memref<2000xf32, #tpu.memory_space<hbm>>
      %dma_wait3A_219 = tpu.memref_slice %arg4[%add3A_195] : memref<200192xf32, #tpu.memory_space<hbm>> -> memref<2000xf32, #tpu.memory_space<hbm>>
      %dma_wait3A_220 = arith.constant 0 : i32
      %dma_wait3A_221 = tpu.memref_slice %arg15[%dma_wait3A_220] : memref<2000xf32, #tpu.memory_space<vmem>> -> memref<2000xf32, #tpu.memory_space<vmem>>
      tpu.wait_dma2 semaphore(%run_scoped3A : memref<!tpu.dma_semaphore, #tpu.memory_space<semaphore_mem>>) src(%dma_wait3A_221 : memref<2000xf32, #tpu.memory_space<vmem>>) dst(%dma_wait3A_219 : memref<2000xf32, #tpu.memory_space<hbm>>)
      tpu.yield
    }) : () -> ()
    %add3A_196 = arith.constant 4000 : i32
    %add3A_197 = arith.addi %mul3A_2, %add3A_196 : i32
    "tpu.region"() ({
      %run_scoped3A = tpu.sem_alloc : memref<!tpu.dma_semaphore, #tpu.memory_space<semaphore_mem>>
      %dma_start3A_210 = arith.constant 0 : i32
      %dma_start3A_211 = tpu.memref_slice %arg15[%dma_start3A_210] : memref<2000xf32, #tpu.memory_space<vmem>> -> memref<2000xf32, #tpu.memory_space<vmem>>
      %dma_start3A_212 = tpu.memref_slice %arg6[%add3A_197] : memref<100096xf32, #tpu.memory_space<vmem_shared>> -> memref<2000xf32, #tpu.memory_space<vmem_shared>>
      %dma_start3A_213 = arith.constant 0 : i32
      %dma_start3A_214 = tpu.memref_slice %arg15[%dma_start3A_213] : memref<2000xf32, #tpu.memory_space<vmem>> -> memref<2000xf32, #tpu.memory_space<vmem>>
      %dma_start3A_215 = tpu.memref_slice %arg6[%add3A_197] : memref<100096xf32, #tpu.memory_space<vmem_shared>> -> memref<2000xf32, #tpu.memory_space<vmem_shared>>
      tpu.enqueue_dma source(%dma_start3A_215 : memref<2000xf32, #tpu.memory_space<vmem_shared>>) target(%dma_start3A_214 : memref<2000xf32, #tpu.memory_space<vmem>>) target_semaphore(%run_scoped3A : memref<!tpu.dma_semaphore, #tpu.memory_space<semaphore_mem>>)
      %dma_wait3A_216 = arith.constant 0 : i32
      %dma_wait3A_217 = tpu.memref_slice %arg15[%dma_wait3A_216] : memref<2000xf32, #tpu.memory_space<vmem>> -> memref<2000xf32, #tpu.memory_space<vmem>>
      %dma_wait3A_218 = tpu.memref_slice %arg6[%add3A_197] : memref<100096xf32, #tpu.memory_space<vmem_shared>> -> memref<2000xf32, #tpu.memory_space<vmem_shared>>
      %dma_wait3A_219 = arith.constant 0 : i32
      %dma_wait3A_220 = tpu.memref_slice %arg15[%dma_wait3A_219] : memref<2000xf32, #tpu.memory_space<vmem>> -> memref<2000xf32, #tpu.memory_space<vmem>>
      %dma_wait3A_221 = tpu.memref_slice %arg6[%add3A_197] : memref<100096xf32, #tpu.memory_space<vmem_shared>> -> memref<2000xf32, #tpu.memory_space<vmem_shared>>
      tpu.wait_dma2 semaphore(%run_scoped3A : memref<!tpu.dma_semaphore, #tpu.memory_space<semaphore_mem>>) src(%dma_wait3A_221 : memref<2000xf32, #tpu.memory_space<vmem_shared>>) dst(%dma_wait3A_220 : memref<2000xf32, #tpu.memory_space<vmem>>)
      tpu.yield
    }) : () -> ()
    %mul3A_198 = arith.constant 100096 : i32
    %mul3A_199 = arith.muli %arg0, %mul3A_198 : i32
    %add3A_200 = arith.addi %mul3A_199, %mul3A_2 : i32
    %add3A_201 = arith.constant 4000 : i32
    %add3A_202 = arith.addi %add3A_200, %add3A_201 : i32
    "tpu.region"() ({
      %run_scoped3A = tpu.sem_alloc : memref<!tpu.dma_semaphore, #tpu.memory_space<semaphore_mem>>
      %dma_start3A_210 = arith.constant 0 : i32
      %dma_start3A_211 = tpu.memref_slice %arg15[%dma_start3A_210] : memref<2000xf32, #tpu.memory_space<vmem>> -> memref<2000xf32, #tpu.memory_space<vmem>>
      %dma_start3A_212 = tpu.memref_slice %arg4[%add3A_202] : memref<200192xf32, #tpu.memory_space<hbm>> -> memref<2000xf32, #tpu.memory_space<hbm>>
      %dma_start3A_213 = tpu.memref_slice %arg4[%add3A_202] : memref<200192xf32, #tpu.memory_space<hbm>> -> memref<2000xf32, #tpu.memory_space<hbm>>
      %dma_start3A_214 = arith.constant 0 : i32
      %dma_start3A_215 = tpu.memref_slice %arg15[%dma_start3A_214] : memref<2000xf32, #tpu.memory_space<vmem>> -> memref<2000xf32, #tpu.memory_space<vmem>>
      tpu.enqueue_dma source(%dma_start3A_215 : memref<2000xf32, #tpu.memory_space<vmem>>) target(%dma_start3A_213 : memref<2000xf32, #tpu.memory_space<hbm>>) target_semaphore(%run_scoped3A : memref<!tpu.dma_semaphore, #tpu.memory_space<semaphore_mem>>)
      %dma_wait3A_216 = arith.constant 0 : i32
      %dma_wait3A_217 = tpu.memref_slice %arg15[%dma_wait3A_216] : memref<2000xf32, #tpu.memory_space<vmem>> -> memref<2000xf32, #tpu.memory_space<vmem>>
      %dma_wait3A_218 = tpu.memref_slice %arg4[%add3A_202] : memref<200192xf32, #tpu.memory_space<hbm>> -> memref<2000xf32, #tpu.memory_space<hbm>>
      %dma_wait3A_219 = tpu.memref_slice %arg4[%add3A_202] : memref<200192xf32, #tpu.memory_space<hbm>> -> memref<2000xf32, #tpu.memory_space<hbm>>
      %dma_wait3A_220 = arith.constant 0 : i32
      %dma_wait3A_221 = tpu.memref_slice %arg15[%dma_wait3A_220] : memref<2000xf32, #tpu.memory_space<vmem>> -> memref<2000xf32, #tpu.memory_space<vmem>>
      tpu.wait_dma2 semaphore(%run_scoped3A : memref<!tpu.dma_semaphore, #tpu.memory_space<semaphore_mem>>) src(%dma_wait3A_221 : memref<2000xf32, #tpu.memory_space<vmem>>) dst(%dma_wait3A_219 : memref<2000xf32, #tpu.memory_space<hbm>>)
      tpu.yield
    }) : () -> ()
    %add3A_203 = arith.constant 6000 : i32
    %add3A_204 = arith.addi %mul3A_2, %add3A_203 : i32
    "tpu.region"() ({
      %run_scoped3A = tpu.sem_alloc : memref<!tpu.dma_semaphore, #tpu.memory_space<semaphore_mem>>
      %dma_start3A_210 = arith.constant 0 : i32
      %dma_start3A_211 = tpu.memref_slice %arg15[%dma_start3A_210] : memref<2000xf32, #tpu.memory_space<vmem>> -> memref<256xf32, #tpu.memory_space<vmem>>
      %dma_start3A_212 = tpu.memref_slice %arg6[%add3A_204] : memref<100096xf32, #tpu.memory_space<vmem_shared>> -> memref<256xf32, #tpu.memory_space<vmem_shared>>
      %dma_start3A_213 = arith.constant 0 : i32
      %dma_start3A_214 = tpu.memref_slice %arg15[%dma_start3A_213] : memref<2000xf32, #tpu.memory_space<vmem>> -> memref<256xf32, #tpu.memory_space<vmem>>
      %dma_start3A_215 = tpu.memref_slice %arg6[%add3A_204] : memref<100096xf32, #tpu.memory_space<vmem_shared>> -> memref<256xf32, #tpu.memory_space<vmem_shared>>
      tpu.enqueue_dma source(%dma_start3A_215 : memref<256xf32, #tpu.memory_space<vmem_shared>>) target(%dma_start3A_214 : memref<256xf32, #tpu.memory_space<vmem>>) target_semaphore(%run_scoped3A : memref<!tpu.dma_semaphore, #tpu.memory_space<semaphore_mem>>)
      %dma_wait3A_216 = arith.constant 0 : i32
      %dma_wait3A_217 = tpu.memref_slice %arg15[%dma_wait3A_216] : memref<2000xf32, #tpu.memory_space<vmem>> -> memref<256xf32, #tpu.memory_space<vmem>>
      %dma_wait3A_218 = tpu.memref_slice %arg6[%add3A_204] : memref<100096xf32, #tpu.memory_space<vmem_shared>> -> memref<256xf32, #tpu.memory_space<vmem_shared>>
      %dma_wait3A_219 = arith.constant 0 : i32
      %dma_wait3A_220 = tpu.memref_slice %arg15[%dma_wait3A_219] : memref<2000xf32, #tpu.memory_space<vmem>> -> memref<256xf32, #tpu.memory_space<vmem>>
      %dma_wait3A_221 = tpu.memref_slice %arg6[%add3A_204] : memref<100096xf32, #tpu.memory_space<vmem_shared>> -> memref<256xf32, #tpu.memory_space<vmem_shared>>
      tpu.wait_dma2 semaphore(%run_scoped3A : memref<!tpu.dma_semaphore, #tpu.memory_space<semaphore_mem>>) src(%dma_wait3A_221 : memref<256xf32, #tpu.memory_space<vmem_shared>>) dst(%dma_wait3A_220 : memref<256xf32, #tpu.memory_space<vmem>>)
      tpu.yield
    }) : () -> ()
    %mul3A_205 = arith.constant 100096 : i32
    %mul3A_206 = arith.muli %arg0, %mul3A_205 : i32
    %add3A_207 = arith.addi %mul3A_206, %mul3A_2 : i32
    %add3A_208 = arith.constant 6000 : i32
    %add3A_209 = arith.addi %add3A_207, %add3A_208 : i32
    "tpu.region"() ({
      %run_scoped3A = tpu.sem_alloc : memref<!tpu.dma_semaphore, #tpu.memory_space<semaphore_mem>>
      %dma_start3A_210 = arith.constant 0 : i32
      %dma_start3A_211 = tpu.memref_slice %arg15[%dma_start3A_210] : memref<2000xf32, #tpu.memory_space<vmem>> -> memref<256xf32, #tpu.memory_space<vmem>>
      %dma_start3A_212 = tpu.memref_slice %arg4[%add3A_209] : memref<200192xf32, #tpu.memory_space<hbm>> -> memref<256xf32, #tpu.memory_space<hbm>>
      %dma_start3A_213 = tpu.memref_slice %arg4[%add3A_209] : memref<200192xf32, #tpu.memory_space<hbm>> -> memref<256xf32, #tpu.memory_space<hbm>>
      %dma_start3A_214 = arith.constant 0 : i32
      %dma_start3A_215 = tpu.memref_slice %arg15[%dma_start3A_214] : memref<2000xf32, #tpu.memory_space<vmem>> -> memref<256xf32, #tpu.memory_space<vmem>>
      tpu.enqueue_dma source(%dma_start3A_215 : memref<256xf32, #tpu.memory_space<vmem>>) target(%dma_start3A_213 : memref<256xf32, #tpu.memory_space<hbm>>) target_semaphore(%run_scoped3A : memref<!tpu.dma_semaphore, #tpu.memory_space<semaphore_mem>>)
      %dma_wait3A_216 = arith.constant 0 : i32
      %dma_wait3A_217 = tpu.memref_slice %arg15[%dma_wait3A_216] : memref<2000xf32, #tpu.memory_space<vmem>> -> memref<256xf32, #tpu.memory_space<vmem>>
      %dma_wait3A_218 = tpu.memref_slice %arg4[%add3A_209] : memref<200192xf32, #tpu.memory_space<hbm>> -> memref<256xf32, #tpu.memory_space<hbm>>
      %dma_wait3A_219 = tpu.memref_slice %arg4[%add3A_209] : memref<200192xf32, #tpu.memory_space<hbm>> -> memref<256xf32, #tpu.memory_space<hbm>>
      %dma_wait3A_220 = arith.constant 0 : i32
      %dma_wait3A_221 = tpu.memref_slice %arg15[%dma_wait3A_220] : memref<2000xf32, #tpu.memory_space<vmem>> -> memref<256xf32, #tpu.memory_space<vmem>>
      tpu.wait_dma2 semaphore(%run_scoped3A : memref<!tpu.dma_semaphore, #tpu.memory_space<semaphore_mem>>) src(%dma_wait3A_221 : memref<256xf32, #tpu.memory_space<vmem>>) dst(%dma_wait3A_219 : memref<256xf32, #tpu.memory_space<hbm>>)
      tpu.yield
    }) : () -> ()
    return
  }
}

</mosaic_0001>

<sc_bundles>
// kernel: _hop.3.cloned.1.call-start
scs
__scs_entry_jumppad:
0x0: {  	(pc) =	sbr.rel $0x88, $3  }
0x1: {  	(tag) =	ssettag $0x0;
	lr =	simm.s32 $0x1  }
0x2: {  	[smem:$0x3F9F] =	sst lr;
	_ =	strace $0xD0000000  }
0x3: {  	_ = 	snop  }
0x4: {  	_ = 	snop  }
0x5: {  	_ = 	snop  }
0x6: {  	_ = 	snop  }
0x7: {  	_ = 	snop  }
__scs_overlays_trampoline_lowered:
0x8: {  	[smem:$0x3FAE] =	sst s0  }
0x9: {  	[smem:$0x3FAF] =	sst s1  }
0xa: {  	[smem:$0x3FB0] =	sst s2  }
0xb: {  	[smem:$0x3FB1] =	sst s3  }
0xc: {  	[smem:$0x3FB2] =	sst s4  }
0xd: {  	[smem:$0x3FB3] =	sst s5  }
0xe: {  	[smem:$0x3FB4] =	sst s6  }
0xf: {  	[smem:$0x3FB5] =	sst s7  }
0x10: {  	[smem:$0x3FB6] =	sst s8  }
0x11: {  	[smem:$0x3FB7] =	sst s9;
	s0 =	simm.s32 @!p0 $0x0  }
0x12: {  	s1 =	sld [smem:$0x3F9D];
	s0 =	simm.s32 @p0 $0x1  }
0x13: {  	[smem:$0x3FB8] =	sst s0;
	s0 =	simm.s32 @!p1 $0x0  }
0x14: {  	s2 =	sld [smem:$0x3F9C];
	s0 =	simm.s32 @p1 $0x1  }
0x15: {  	[smem:$0x3FB9] =	sst s0;
	s0 =	simm.s32 @!p2 $0x0  }
0x16: {  	s3 =	sld [smem:$0x3FDB];
	s0 =	simm.s32 @p2 $0x1  }
0x17: {  	s4 =	simm.s32 $0x1BF5;
	[smem:$0x3FBB] =	sst s0  }
0x18: {  	s0 =	sld [smem:$0x3F9E];
	_ =	swait.ge [sflag:s4], $0x0  }
0x19: {  	s7 =	sld [smem:$0x3F9F]  }
0x1a: {  	s8 =	sadd.s32 $0xFFFFE003, lr  }
0x1b: {  	s9 =	sadd.s32 $0xFFFFFEF7, lr;
	s5 =	simm.s32 $0xFFFFFFFF;
	p2 =	slt.u32 s8, $0xFFFFF086  }
0x1c: {  	p1 =	slt.u32 s9, $0xF7A;
	s5 =	simm.s32 @!p2 $0x0  }
0x1d: {  	s5 =	simm.s32 @p1 $0x1;
	p0 =	seq.s32 s7, s2  }
0x1e: {  	s7 =	smul.u32 @!p0 $0xF7A, s2;
	p2 =	seq.s32 @!p0 s5, $0x0  }
0x1f: {  	s9 =	smul.u32 $0xF7A, s1;
	s8 =	simm.s32 @!p0 $0x1BF5;
	p2 =	por !p2, p0  }
0x20: {  	[sflag:s8] =	ssyncset.s32 @!p0 $0xFFFFF086;
	s6 =	sadd.s32 @!p0 s3, s7;
	s7 =	simm.s32 @!p0 $0x108  }
0x21: {  	s3 =	sadd.s32 s3, s9;
	s6 =	sadd.s32 @!p0 $0x88, s6;
	s7 =	simm.s32 @p2 $0x1082  }
0x22: {  	[simem:s7], [sflag:s8] =	dma.local @!p0 [hbm:s6], $0xF7A  }
0x23: {  	s9 =	sor.u32 $0xD0000000, s2;
	s6 =	simm.s32 $0x108;
	_ =	swait.ge @!p0 [sflag:s8], $0x0  }
0x24: {  	s3 =	sadd.s32 $0x88, s3;
	s6 =	simm.s32 @!p1 $0x1082;
	[sflag:s4] =	ssyncset.s32 $0xFFFFF086  }
0x25: {  	[simem:s6], [sflag:s4] =	dma.local [hbm:s3], $0xF7A  }
0x26: {  	[smem:$0x3F9F] =	sst s1;
	(tag) =	ssettag s2;
	_ =	strace s9  }
0x27: {  	s1 =	sld [smem:$0x3FAF]  }
0x28: {  	s2 =	sld [smem:$0x3FB0]  }
0x29: {  	s4 =	sld [smem:$0x3FB2]  }
0x2a: {  	p0 =	seq.s32 s5, $0x0;
	s5 =	sld [smem:$0x3FB3]  }
0x2b: {  	s6 =	sld [smem:$0x3FB4]  }
0x2c: {  	s7 =	sld [smem:$0x3FB5]  }
0x2d: {  	s3 =	simm.s32 $0x108;
	s8 =	sld [smem:$0x3FB6]  }
0x2e: {  	s3 =	simm.s32 @!p0 $0x1082;
	s9 =	sld [smem:$0x3FB7]  }
0x2f: {  	lr =	sadd.s32 s0, s3;
	s0 =	sld [smem:$0x3FAE]  }
0x30: {  	s3 =	sld [smem:$0x3FB1]  }
0x31: {  	[smem:$0x3FBA] =	sst s10  }
0x32: {  	s10 =	sld [smem:$0x3FB8];
	_ =	sdelay $0x3  }
0x33: {  	p0 =	seq.s32 s10, $0x1;
	s10 =	sld [smem:$0x3FBA];
	_ =	sdelay $0x3  }
0x34: {  	[smem:$0x3FBA] =	sst s10  }
0x35: {  	s10 =	sld [smem:$0x3FB9];
	_ =	sdelay $0x3  }
0x36: {  	p1 =	seq.s32 s10, $0x1;
	s10 =	sld [smem:$0x3FBA];
	_ =	sdelay $0x3  }
0x37: {  	[smem:$0x3FBA] =	sst s10  }
0x38: {  	s10 =	sld [smem:$0x3FBB]  }
0x39: {  	_ = 	snop;
	(pc) =	sbr.ind lr, $3  }
0x3a: {  	_ = 	snop  }
0x3b: {  	_ = 	snop  }
0x3c: {  	p2 =	seq.s32 s10, $0x1;
	s10 =	sld [smem:$0x3FBA]  }
0x3d: {  	_ =	shalt  }
0x3e: {  	_ =	shalt  }
0x3f: {  	_ =	shalt  }
0x40: {  	_ =	shalt  }
0x41: {  	_ =	shalt  }
0x42: {  	_ =	shalt  }
0x43: {  	_ =	shalt  }
0x44: {  	_ =	shalt  }
0x45: {  	_ =	shalt  }
0x46: {  	_ =	shalt  }
0x47: {  	_ =	shalt  }
0x48: {  	_ =	shalt  }
0x49: {  	_ =	shalt  }
0x4a: {  	_ =	shalt  }
0x4b: {  	_ =	shalt  }
0x4c: {  	_ =	shalt  }
0x4d: {  	_ =	shalt  }
0x4e: {  	_ =	shalt  }
0x4f: {  	_ =	shalt  }
0x50: {  	_ =	shalt  }
0x51: {  	_ =	shalt  }
0x52: {  	_ =	shalt  }
0x53: {  	_ =	shalt  }
0x54: {  	_ =	shalt  }
0x55: {  	_ =	shalt  }
0x56: {  	_ =	shalt  }
0x57: {  	_ =	shalt  }
0x58: {  	_ =	shalt  }
0x59: {  	_ =	shalt  }
0x5a: {  	_ =	shalt  }
0x5b: {  	_ =	shalt  }
0x5c: {  	_ =	shalt  }
0x5d: {  	_ =	shalt  }
0x5e: {  	_ =	shalt  }
0x5f: {  	_ =	shalt  }
0x60: {  	_ =	shalt  }
0x61: {  	_ =	shalt  }
0x62: {  	_ =	shalt  }
0x63: {  	_ =	shalt  }
0x64: {  	_ =	shalt  }
0x65: {  	_ =	shalt  }
0x66: {  	_ =	shalt  }
0x67: {  	_ =	shalt  }
0x68: {  	_ =	shalt  }
0x69: {  	_ =	shalt  }
0x6a: {  	_ =	shalt  }
0x6b: {  	_ =	shalt  }
0x6c: {  	_ =	shalt  }
0x6d: {  	_ =	shalt  }
0x6e: {  	_ =	shalt  }
0x6f: {  	_ =	shalt  }
0x70: {  	_ =	shalt  }
0x71: {  	_ =	shalt  }
0x72: {  	_ =	shalt  }
0x73: {  	_ =	shalt  }
0x74: {  	_ =	shalt  }
0x75: {  	_ =	shalt  }
0x76: {  	_ =	shalt  }
0x77: {  	_ =	shalt  }
0x78: {  	_ =	shalt  }
0x79: {  	_ =	shalt  }
0x7a: {  	_ =	shalt  }
0x7b: {  	_ =	shalt  }
0x7c: {  	_ =	shalt  }
0x7d: {  	_ =	shalt  }
0x7e: {  	_ =	shalt  }
0x7f: {  	_ =	shalt  }
0x80: {  	_ =	shalt  }
0x81: {  	_ =	shalt  }
0x82: {  	_ =	shalt  }
0x83: {  	_ =	shalt  }
0x84: {  	_ =	shalt  }
0x85: {  	_ =	shalt  }
0x86: {  	_ =	shalt  }
0x87: {  	_ =	shalt  }
.Lfunc_end0:
.L_simem_size_0:
called_computation_lowered:
.L_overlay_start_0:
0x88: {  	s2 =	sld [smem:$0x3FD9]  }
0x89: {  	s3 =	sld [smem:$0x3FFE];
	_ =	sdelay $0x1  }
0x8a: {  	s1 =	srdreg.scid  }
0x8b: {  	s0 =	sand.u32 $0x1, s1  }
0x8c: {  	s18 =	sshll.u32 s0, $0xA;
	s2 =	sadd.s32 s3, s2  }
0x8d: {  	s2 =	sadd.s32 s2, s18  }
0x8e: {  	[smem:$0x3FC6] =	sst s2  }
0x8f: {  	_ = 	snop  }
0x90: {  	s2 =	sld [smem:$0x3FC9]  }
0x91: {  	s19 =	sld [smem:$0x3FC8]  }
0x92: {  	s4 =	sld [smem:$0x3FD0];
	(tm) =	ssettm $0x1  }
0x93: {  	s5 =	sld [smem:$0x3FFB];
	_ =	sdelay $0x3  }
0x94: {  	_ =	strace s5  }
0x95: {  	s5 =	sld [smem:$0x3FFC];
	_ =	sdelay $0x3  }
0x96: {  	_ =	strace s5  }
0x97: {  	s5 =	sld [smem:$0x3FFD];
	_ =	sdelay $0x3  }
0x98: {  	_ =	strace s5  }
0x99: {  	_ =	strace $0x8FFFFFFF  }
0x9a: {  	s20 =	sld [smem:$0x3FDB];
	_ =	sdelay $0x1  }
0x9b: {  	s6 =	simm.s32 $_scs_section_size  }
0x9c: {  	s7 =	simm.s32 $_size__tile_overlayer_lowered;
	s8 =	simm.s32 $_tile_overlayer_lowered  }
0x9d: {  	s23 =	simm.s32 $0x1BFF;
	s22 =	sshll.u32 s8, $0x1;
	s5 =	sadd.s32 s6, s20  }
0x9e: {  	s9 =	simm.s32 $0x0;
	s21 =	sshll.u32 s7, $0x1;
	s7 =	sadd.s32 s22, s5  }
0x9f: {  	[timem:s9], [sflag:s23] =	dma.local [hbm:s7], s21  }
0xa0: {  	_ =	swait.ge [sflag:s23], s21  }
0xa1: {  	s6 =	ssub.s32 $0x0, s21;
	[sflag:s23] =	ssyncset.done $0x0  }
0xa2: {  	[sflag:s23] =	ssyncadd.s32 s6;
	_ =	sdelay $0x1  }
0xa3: {  	s24 =	simm.s32 $0x1B8B  }
0xa4: {  	_ =	swait.ge [sflag:s24], $0x1  }
0xa5: {  	[sflag:s24] =	ssyncset.done $0x0  }
0xa6: {  	s25 =	simm.s32 $0x1B8E;
	[sflag:s24] =	ssyncadd.s32 $0xFFFFFFFF  }
0xa7: {  	s26 =	simm.s32 $execute0_lowered;
	[smem:$0x3FD2] =	sst s25  }
0xa8: {  	s6 =	sshll.u32 s26, $0x1;
	_ =	strace $0x80000046;
	[dreg:$0x1] =	wrdreg $0xFFFFFFFF  }
0xa9: {  	s28 =	simm.s32 $_size_execute0_lowered;
	s5 =	sadd.s32 s5, s6;
	[dreg:$0x0] =	wrdreg $0x0  }
0xaa: {  	s6 =	sshll.u32 s28, $0x1;
	[dreg:$0x2] =	wrdreg s5  }
0xab: {  	[dreg:$0x3] =	wrdreg s6  }
0xac: {  	[dreg:$0x4] =	wrdreg $0xC0  }
0xad: {  	_ =	task [dreg:s9], $0x5FFFF  }
0xae: {  	[dreg:$0x1] =	wrdreg $0xFFFFFFFF  }
0xaf: {  	[dreg:$0x0] =	wrdreg $0x60  }
0xb0: {  	[dreg:$0x2] =	wrdreg s2  }
0xb1: {  	[dreg:$0x3] =	wrdreg s19  }
0xb2: {  	[dreg:$0x4] =	wrdreg s4  }
0xb3: {  	[dreg:$0x5] =	wrdreg $0x187000  }
0xb4: {  	[dreg:$0x6] =	wrdreg $0x9  }
0xb5: {  	_ =	task.clear_ibuf [dreg:s9], $0x7FFFF;
	_ =	strace $0x90000046  }
0xb6: {  	s29 =	simm.s32 $0x9;
	_ =	strace $0x80000048  }
0xb7: {  	_ =	swait.ge [sflag:s29], $0x1  }
0xb8: {  	[sflag:s29] =	ssyncadd.s32 $0xFFFFFFFF  }
0xb9: {  	_ =	strace $0x90000048  }
0xba: {  	_ =	sfence  }
0xbb: {  	s30 =	sld [smem:$0x0];
	_ =	sdelay $0x2  }
0xbc: {  	s31 =	sshll.u32 s1, $0xD;
	s1 =	sshrl.u32 s1, $0x2  }
0xbd: {  	s3 =	sand.u32 $0x4000, s31;
	s1 =	sadd.s32 s1, s30  }
0xbe: {  	s0 =	sor.u32 s3, s0;
	s1 =	sshll.u32 s1, $0x11  }
0xbf: {  	s0 =	sor.u32 s1, s0  }
0xc0: {  	s0 =	sadd.s32 $0x8F2B, s0  }
0xc1: {  	[sflag:s0] =	ssyncadd.remote.s32 $0x1  }
0xc2: {  	_ =	sfence.sel $0xFFFF  }
0xc3: {  	[dreg:$0x0] =	wrdreg $0xFFFFFFFF;
	(pc) =	sbr.abs _section_cstart, $3  }
0xc4: {  	[dreg:$0x1] =	wrdreg $0xFFFFFFFF  }
0xc5: {  	_ =	task.clear_ibuf [dreg:s9], $0x2FFFF;
	_ =	strace $0x9FFFFFFF  }
0xc6: {  	(tm) =	ssettm $0x7FFFFFFF  }
0xc7: {  	_ =	shalt  }
tec
execute0_lowered:
.L_overlay_start_1:
0x0: {  	(tag) =	ssettag $0x1  }
0x1: {  	s2 =	rddreg [dreg:$0x1]  }
0x2: {  	s0 =	srdreg.scid;
	s1 =	rddreg [dreg:$0x2]  }
0x3: {  	s8 =	stileid.u32;
	s4 =	rddreg [dreg:$0x3];
	s5 =	simm.s32 $0x0  }
0x4: {  	s31 =	simm.s32 $0x19F70;
	s28 =	simm.s32 $0x5;
	s29 =	simm.s32 $0x1EF70  }
0x5: {  	s30 =	simm.s32 $0x4;
	s0 =	sand.u32 $0x1, s0;
	s3 =	sshll.u32 s8, $0x1  }
0x6: {  	[smem:$0x7FF] =	sst s5;
	s8 =	smul.u32 $0x1870, s8;
	s3 =	sor.u32 s0, s3  }
0x7: {  	s24 =	ssub.s32 $0x2, s0;
	_ =	strace $0x80000047;
	s0 =	smul.u32 $0x18700, s0  }
0x8: {  	s6 =	smul.u32 $0x30D40, s3;
	s7 =	sshrl.u32 s24, $0x1;
	s15 =	sadd.s32 s8, s4  }
0x9: {  	s3 =	ssub.s32 s24, s7;
	s18 =	sadd.s32 $0x7D0, s15;
	[dreg:$0x8] =	wrdreg s15  }
0xa: {  	s22 =	sadd.s32 $0xFA0, s15;
	s0 =	sadd.s32 s8, s0;
	[dreg:$0xa] =	wrdreg s18  }
0xb: {  	s9 =	sshrl.u32 s6, $0x3;
	s23 =	smax.u32 s3, $0x1;
	[dreg:$0xb] =	wrdreg s22  }
0xc: {  	s0 =	sshrl.u32 s0, $0x3;
	s9 =	sadd.s32 s2, s9;
	[dreg:$0x15] =	wrdreg s23  }
0xd: {  	s8 =	simm.s32 $0x1DF70;
	s0 =	sadd.s32 s1, s0;
	[dreg:$0x5] =	wrdreg s9  }
0xe: {  	s13 =	sadd.s32 $0xFA0, s6;
	s25 =	sadd.s32 $0xC3500, s9;
	[dreg:$0x13] =	wrdreg s0  }
0xf: {  	s17 =	sadd.s32 $0x1770, s6;
	s26 =	sadd.s32 $0xFA, s9;
	[dreg:$0x6] =	wrdreg s25  }
0x10: {  	s11 =	sshrl.u32 s13, $0x3;
	s10 =	sadd.s32 $0xC35FA, s9;
	[dreg:$0x7] =	wrdreg s26  }
0x11: {  	s3 =	simm.s32 $0x1BF70;
	s7 =	sadd.s32 s2, s11;
	[dreg:$0x9] =	wrdreg s10  }
0x12: {  	s14 =	sshrl.u32 s17, $0x3;
	s12 =	sadd.s32 $0xC36F4, s9;
	[dreg:$0xd] =	wrdreg s7  }
0x13: {  	s1 =	simm.s32 $0x1C770;
	s16 =	sadd.s32 $0xC37EE, s9;
	[dreg:$0xe] =	wrdreg s12  }
0x14: {  	s23 =	simm.s32 $0x6;
	s19 =	sadd.s32 $0x3E8, s9;
	[dreg:$0x10] =	wrdreg s16  }
0x15: {  	s20 =	sadd.s32 $0xC38E8, s9;
	s21 =	sadd.s32 $0x4E2, s9;
	[dreg:$0x11] =	wrdreg s19  }
0x16: {  	s24 =	sadd.s32 $0xC39E2, s9;
	s9 =	simm.s32 $0xA;
	[dreg:$0x12] =	wrdreg s20  }
0x17: {  	s11 =	simm.s32 $0x7;
	s10 =	sadd.s32 $0x1770, s15;
	[dreg:$0x14] =	wrdreg s21  }
0x18: {  	s7 =	sadd.s32 s2, s14;
	[dreg:$0x16] =	wrdreg s24;
	s25 =	sadd.s32 $0xFA, s0  }
0x19: {  	s26 =	sadd.s32 $0x1F4, s0;
	s0 =	sadd.s32 $0x2EE, s0;
	[dreg:$0xc] =	wrdreg s10  }
0x1a: {  	s16 =	simm.s32 $0x1;
	s19 =	simm.s32 $0x1CF70;
	[dreg:$0xf] =	wrdreg s7  }
0x1b: {  	s20 =	simm.s32 $0x7D0;
	s21 =	simm.s32 $0x2;
	[dreg:$0x17] =	wrdreg s25  }
0x1c: {  	s24 =	simm.s32 $0x1D770;
	s12 =	simm.s32 $0x8;
	[dreg:$0x18] =	wrdreg s26  }
0x1d: {  	s14 =	simm.s32 $0x0;
	[dreg:$0x19] =	wrdreg s0;
	s0 =	simm.s32 $0x1A770  }
0x1e: {  	v0 =	vimm.f32 $0.0e+00;
	s25 =	simm.s32 $0x1E770;
	s26 =	simm.s32 $0x3;
	s7 =	simm.s32 $0x1F770  }
.LBB2_1:
0x1f: {  	[dreg:$0x1a] =	wrdreg s14  }
0x20: {  	s10 =	rddreg [dreg:$0x5]  }
0x21: {  	[tilespmem:s31], [sflag:$0x1] =	stream.linear.gather [hbm4b:s10+s5], $0x7D0, $0x38;
	[tilespmem:$0x1FF70] =	vst v63  }
0x22: {  	s14 =	rddreg [dreg:$0x6]  }
0x23: {  	[tilespmem:s3], [sflag:$0x1] =	stream.linear.gather [hbm4b:s14+s5], $0x7D0, $0x38;
	[tilespmem:$0x1FF70] =	vst v63  }
0x24: {  	s14 =	rddreg [dreg:$0x7]  }
0x25: {  	[tilespmem:s0], [sflag:$0x2] =	stream.linear.gather [hbm4b:s14+s5], $0x7D0, $0x38;
	[tilespmem:$0x1FF70] =	vst v63  }
0x26: {  	s14 =	rddreg [dreg:$0x9]  }
0x27: {  	[tilespmem:s1], [sflag:$0x2] =	stream.linear.gather [hbm4b:s14+s5], $0x7D0, $0x38;
	[tilespmem:$0x1FF70] =	vst v63  }
0x28: {  	s14 =	rddreg [dreg:$0x0]  }
0x29: {  	[tilespmem:s5], [sflag:$0x9] =	stream.linear.gather [hbm4b:s14+s5], $0x18700, $0x38;
	[tilespmem:$0x1FF70] =	vst v63  }
0x2a: {  	s10 =	simm.s32 $0x40;
	s14 =	simm.s32 $0x0  }
.LBB2_2:
0x2b: {  	p0 =	sne.s32 s10, $0x1F00;
	[tilespmem:s14+$0x1DF70] =	vst v0;
	s14 =	smov.u32 s10;
	s10 =	sadd.s32 $0x40, s10  }
.Ltmp0:
0x2c: {  	(pc) =	sbr.rel @p0 .LBB2_2-.Ltmp0, $2  }
0x2d: {  	_ =	sdelay $0x2  }
0x2e: {  	s14 =	sshra.s32 s14, $0x2  }
0x2f: {  	[tilespmem:s14+$0x1DF70] =	vst v0  }
0x30: {  	[spmem:s15] =	stream.linear.scatter [tilespmem:s8], [sflag:$0xA], $0x7D0, $0x38;
	[tilespmem:$0x1FF70] =	vst v63  }
0x31: {  	_ =	swait.ge [sflag:s9], $0x7D0  }
0x32: {  	[sflag:s9] =	ssyncset.done $0x0  }
0x33: {  	[sflag:s9] =	ssyncadd.s32 $0xFFFFF830  }
0x34: {  	[spmem:s18] =	stream.linear.scatter [tilespmem:s8], [sflag:$0xA], $0x7D0, $0x38;
	[tilespmem:$0x1FF70] =	vst v63  }
0x35: {  	_ =	swait.ge [sflag:s9], $0x7D0  }
0x36: {  	[sflag:s9] =	ssyncset.done $0x0  }
0x37: {  	[sflag:s9] =	ssyncadd.s32 $0xFFFFF830  }
0x38: {  	[spmem:s22] =	stream.linear.scatter [tilespmem:s8], [sflag:$0xA], $0x7D0, $0x38;
	[tilespmem:$0x1FF70] =	vst v63  }
0x39: {  	_ =	swait.ge [sflag:s9], $0x7D0  }
0x3a: {  	[sflag:s9] =	ssyncset.done $0x0  }
0x3b: {  	s10 =	rddreg [dreg:$0xc];
	[sflag:s9] =	ssyncadd.s32 $0xFFFFF830  }
0x3c: {  	[spmem:s10] =	stream.linear.scatter [tilespmem:s8], [sflag:$0xA], $0x100, $0x38;
	[tilespmem:$0x1FF70] =	vst v63  }
0x3d: {  	_ =	swait.ge [sflag:s9], $0x100  }
0x3e: {  	[sflag:s9] =	ssyncset.done $0x0  }
0x3f: {  	[sflag:s9] =	ssyncadd.s32 $0xFFFFFF00  }
0x40: {  	s14 =	simm.s32 $0x9;
	[bflag:$0x0] =	sbarrier.arrive $0xFFFF  }
0x41: {  	_ =	swait.ge [sflag:s14], $0x18700  }
0x42: {  	[sflag:s14] =	ssyncset.done $0x0  }
0x43: {  	[sflag:s14] =	ssyncadd.s32 $0xFFFE7900  }
0x44: {  	_ =	swait.ge [sflag:s16], $0x7D0  }
0x45: {  	[sflag:s16] =	ssyncset.done $0x0  }
0x46: {  	[sflag:s16] =	ssyncadd.s32 $0xFFFFF830  }
0x47: {  	_ =	swait.ge [sflag:s16], $0x7D0  }
0x48: {  	s18 =	simm.s32 $0x1AF70;
	[sflag:s16] =	ssyncset.done $0x0  }
0x49: {  	s10 =	simm.s32 $0x0;
	s15 =	rddreg [dreg:$0xd];
	[sflag:s16] =	ssyncadd.s32 $0xFFFFF830  }
0x4a: {  	[tilespmem:s18], [sflag:$0x3] =	stream.linear.gather [hbm4b:s15+s10], $0x7D0, $0x38;
	[tilespmem:$0x1FF70] =	vst v63  }
0x4b: {  	s22 =	rddreg [dreg:$0xe]  }
0x4c: {  	[tilespmem:s19], [sflag:$0x3] =	stream.linear.gather [hbm4b:s22+s10], $0x7D0, $0x38;
	[tilespmem:$0x1FF70] =	vst v63  }
0x4d: {  	s10 =	simm.s32 $0x0  }
0x4e: {  	v1 =	vld [tilespmem:s10+$0x19F70];
	_ =	sdelay $0x7  }
0x4f: {  	s14 =	simm.s32 $0x10;
	s15 =	simm.s32 $0x80;
	v1 =	vld.idx.msk [tilespmem:v1+s5+$0x0], $0xffff  }
.LBB2_4:
0x50: {  	p0 =	sne.s32 s15, $0x1F00;
	v2 =	vld [tilespmem:s14+$0x19F70];
	_ =	sdelay $0x3  }
.Ltmp1:
0x51: {  	(pc) =	sbr.rel @p0 .LBB2_4-.Ltmp1, $2  }
0x52: {  	[tilespmem:s10+$0x1DF70] =	vst v1;
	s10 =	smov.u32 s14;
	_ =	sdelay $0x2  }
0x53: {  	s14 =	sshra.s32 s15, $0x2;
	s15 =	sadd.s32 $0x40, s15;
	v1 =	vld.idx.msk [tilespmem:v2+s5+$0x0], $0xffff  }
0x54: {  	v2 =	vld [tilespmem:s14+$0x19F70];
	_ =	sdelay $0x6  }
0x55: {  	[tilespmem:s10+$0x1DF70] =	vst v1  }
0x56: {  	v1 =	vld.idx.msk [tilespmem:v2+s5+$0x0], $0xffff;
	_ =	sdelay $0x4  }
0x57: {  	[tilespmem:s14+$0x1DF70] =	vst v1  }
0x58: {  	[spmem:s4] =	stream.indirect.scatter.add.f32 [tilespmem:s8], [sflag:$0x5], $0x1, s3, s20, $0xb8;
	[tilespmem:$0x1FF70] =	vst v63  }
0x59: {  	_ =	swait.ge [sflag:s21], $0x7D0  }
0x5a: {  	[sflag:s21] =	ssyncset.done $0x0  }
0x5b: {  	[sflag:s21] =	ssyncadd.s32 $0xFFFFF830  }
0x5c: {  	_ =	swait.ge [sflag:s21], $0x7D0  }
0x5d: {  	s15 =	simm.s32 $0x1B770;
	[sflag:s21] =	ssyncset.done $0x0  }
0x5e: {  	s10 =	simm.s32 $0x0;
	s18 =	rddreg [dreg:$0xf];
	[sflag:s21] =	ssyncadd.s32 $0xFFFFF830  }
0x5f: {  	[tilespmem:s15], [sflag:$0x4] =	stream.linear.gather [hbm4b:s18+s10], $0x7D0, $0x38;
	[tilespmem:$0x1FF70] =	vst v63  }
0x60: {  	s22 =	rddreg [dreg:$0x10]  }
0x61: {  	[tilespmem:s24], [sflag:$0x4] =	stream.linear.gather [hbm4b:s22+s10], $0x7D0, $0x38;
	[tilespmem:$0x1FF70] =	vst v63  }
0x62: {  	s10 =	simm.s32 $0x0  }
0x63: {  	v1 =	vld [tilespmem:s10+$0x1A770];
	_ =	sdelay $0x7  }
0x64: {  	s14 =	simm.s32 $0x10;
	s15 =	simm.s32 $0x80;
	v1 =	vld.idx.msk [tilespmem:v1+s5+$0x0], $0xffff  }
.LBB2_6:
0x65: {  	p0 =	sne.s32 s15, $0x1F00;
	v2 =	vld [tilespmem:s14+$0x1A770];
	_ =	sdelay $0x3  }
.Ltmp2:
0x66: {  	(pc) =	sbr.rel @p0 .LBB2_6-.Ltmp2, $2  }
0x67: {  	[tilespmem:s10+$0x1E770] =	vst v1;
	s10 =	smov.u32 s14;
	_ =	sdelay $0x2  }
0x68: {  	s14 =	sshra.s32 s15, $0x2;
	s15 =	sadd.s32 $0x40, s15;
	v1 =	vld.idx.msk [tilespmem:v2+s5+$0x0], $0xffff  }
0x69: {  	v2 =	vld [tilespmem:s14+$0x1A770];
	_ =	sdelay $0x6  }
0x6a: {  	[tilespmem:s10+$0x1E770] =	vst v1  }
0x6b: {  	v1 =	vld.idx.msk [tilespmem:v2+s5+$0x0], $0xffff;
	_ =	sdelay $0x4  }
0x6c: {  	[tilespmem:s14+$0x1E770] =	vst v1  }
0x6d: {  	[spmem:s4] =	stream.indirect.scatter.add.f32 [tilespmem:s25], [sflag:$0x6], $0x1, s1, s20, $0xb8;
	[tilespmem:$0x1FF70] =	vst v63  }
0x6e: {  	_ =	swait.ge [sflag:s26], $0x7D0  }
0x6f: {  	[sflag:s26] =	ssyncset.done $0x0  }
0x70: {  	[sflag:s26] =	ssyncadd.s32 $0xFFFFF830  }
0x71: {  	_ =	swait.ge [sflag:s26], $0x7D0  }
0x72: {  	[sflag:s26] =	ssyncset.done $0x0  }
0x73: {  	[sflag:s26] =	ssyncadd.s32 $0xFFFFF830  }
0x74: {  	_ =	swait.ge [sflag:s28], $0x7D0  }
0x75: {  	[sflag:s28] =	ssyncset.done $0x0  }
0x76: {  	s15 =	simm.s32 $0x0;
	s18 =	rddreg [dreg:$0x11];
	[sflag:s28] =	ssyncadd.s32 $0xFFFFF830  }
0x77: {  	[tilespmem:s31], [sflag:$0x1] =	stream.linear.gather [hbm4b:s18+s15], $0x7D0, $0x38;
	[tilespmem:$0x1FF70] =	vst v63  }
0x78: {  	s10 =	simm.s32 $0x0;
	s22 =	rddreg [dreg:$0x12]  }
0x79: {  	[tilespmem:s3], [sflag:$0x1] =	stream.linear.gather [hbm4b:s22+s15], $0x7D0, $0x38;
	[tilespmem:$0x1FF70] =	vst v63  }
0x7a: {  	v1 =	vld [tilespmem:s10+$0x1AF70];
	_ =	sdelay $0x7  }
0x7b: {  	s14 =	simm.s32 $0x10;
	s15 =	simm.s32 $0x80;
	v1 =	vld.idx.msk [tilespmem:v1+s5+$0x0], $0xffff  }
.LBB2_8:
0x7c: {  	p0 =	sne.s32 s15, $0x1F00;
	v2 =	vld [tilespmem:s14+$0x1AF70];
	_ =	sdelay $0x3  }
.Ltmp3:
0x7d: {  	(pc) =	sbr.rel @p0 .LBB2_8-.Ltmp3, $2  }
0x7e: {  	[tilespmem:s10+$0x1EF70] =	vst v1;
	s10 =	smov.u32 s14;
	_ =	sdelay $0x2  }
0x7f: {  	s14 =	sshra.s32 s15, $0x2;
	s15 =	sadd.s32 $0x40, s15;
	v1 =	vld.idx.msk [tilespmem:v2+s5+$0x0], $0xffff  }
0x80: {  	v2 =	vld [tilespmem:s14+$0x1AF70];
	_ =	sdelay $0x6  }
0x81: {  	[tilespmem:s10+$0x1EF70] =	vst v1  }
0x82: {  	v1 =	vld.idx.msk [tilespmem:v2+s5+$0x0], $0xffff;
	_ =	sdelay $0x4  }
0x83: {  	[tilespmem:s14+$0x1EF70] =	vst v1  }
0x84: {  	[spmem:s4] =	stream.indirect.scatter.add.f32 [tilespmem:s29], [sflag:$0x7], $0x1, s19, s20, $0xb8;
	[tilespmem:$0x1FF70] =	vst v63  }
0x85: {  	_ =	swait.ge [sflag:s30], $0x7D0  }
0x86: {  	[sflag:s30] =	ssyncset.done $0x0  }
0x87: {  	[sflag:s30] =	ssyncadd.s32 $0xFFFFF830  }
0x88: {  	_ =	swait.ge [sflag:s30], $0x7D0  }
0x89: {  	[sflag:s30] =	ssyncset.done $0x0  }
0x8a: {  	[sflag:s30] =	ssyncadd.s32 $0xFFFFF830  }
0x8b: {  	_ =	swait.ge [sflag:s23], $0x7D0  }
0x8c: {  	[sflag:s23] =	ssyncset.done $0x0  }
0x8d: {  	s15 =	simm.s32 $0x0;
	s18 =	rddreg [dreg:$0x14];
	[sflag:s23] =	ssyncadd.s32 $0xFFFFF830  }
0x8e: {  	[tilespmem:s0], [sflag:$0x2] =	stream.linear.gather [hbm4b:s18+s15], $0x7D0, $0x38;
	[tilespmem:$0x1FF70] =	vst v63  }
0x8f: {  	s10 =	simm.s32 $0x0;
	s22 =	rddreg [dreg:$0x16]  }
0x90: {  	[tilespmem:s1], [sflag:$0x2] =	stream.linear.gather [hbm4b:s22+s15], $0x7D0, $0x38;
	[tilespmem:$0x1FF70] =	vst v63  }
0x91: {  	v1 =	vld [tilespmem:s10+$0x1B770];
	_ =	sdelay $0x7  }
0x92: {  	s14 =	simm.s32 $0x10;
	s15 =	simm.s32 $0x80;
	v1 =	vld.idx.msk [tilespmem:v1+s5+$0x0], $0xffff  }
.LBB2_10:
0x93: {  	p0 =	sne.s32 s15, $0x1F00;
	v2 =	vld [tilespmem:s14+$0x1B770];
	_ =	sdelay $0x3  }
.Ltmp4:
0x94: {  	(pc) =	sbr.rel @p0 .LBB2_10-.Ltmp4, $2  }
0x95: {  	[tilespmem:s10+$0x1F770] =	vst v1;
	s10 =	smov.u32 s14;
	_ =	sdelay $0x2  }
0x96: {  	s14 =	sshra.s32 s15, $0x2;
	s15 =	sadd.s32 $0x40, s15;
	v1 =	vld.idx.msk [tilespmem:v2+s5+$0x0], $0xffff  }
0x97: {  	v2 =	vld [tilespmem:s14+$0x1B770];
	_ =	sdelay $0x6  }
0x98: {  	[tilespmem:s10+$0x1F770] =	vst v1  }
0x99: {  	v1 =	vld.idx.msk [tilespmem:v2+s5+$0x0], $0xffff;
	_ =	sdelay $0x4  }
0x9a: {  	s15 =	simm.s32 $0x1;
	[tilespmem:s14+$0x1F770] =	vst v1  }
0x9b: {  	[spmem:s4] =	stream.indirect.scatter.add.f32 [tilespmem:s7], [sflag:$0x8], $0x1, s24, s20, $0xb8;
	[tilespmem:$0x1FF70] =	vst v63  }
.LBB2_12:
0x9c: {  	_ =	swait.ge [sflag:s16], $0x7D0  }
0x9d: {  	[sflag:s16] =	ssyncset.done $0x0  }
0x9e: {  	[sflag:s16] =	ssyncadd.s32 $0xFFFFF830  }
0x9f: {  	_ =	swait.ge [sflag:s16], $0x7D0  }
0xa0: {  	s10 =	smul.u32 $0x1F40, s15;
	[sflag:s16] =	ssyncset.done $0x0  }
0xa1: {  	[sflag:s16] =	ssyncadd.s32 $0xFFFFF830  }
0xa2: {  	s14 =	sadd.s32 s10, s13;
	_ =	swait.ge [sflag:s11], $0x7D0  }
0xa3: {  	s18 =	simm.s32 $0x0;
	s14 =	sshrl.u32 s14, $0x3;
	[sflag:s11] =	ssyncset.done $0x0  }
0xa4: {  	s22 =	simm.s32 $0x1AF70;
	s14 =	sadd.s32 s2, s14;
	[sflag:s11] =	ssyncadd.s32 $0xFFFFF830  }
0xa5: {  	[tilespmem:s22], [sflag:$0x3] =	stream.linear.gather [hbm4b:s14+s18], $0x7D0, $0x38;
	[tilespmem:$0x1FF70] =	vst v63  }
0xa6: {  	s14 =	sadd.s32 $0xC3500, s14  }
0xa7: {  	[tilespmem:s19], [sflag:$0x3] =	stream.linear.gather [hbm4b:s14+s18], $0x7D0, $0x38;
	[tilespmem:$0x1FF70] =	vst v63  }
0xa8: {  	s14 =	simm.s32 $0x0  }
0xa9: {  	v1 =	vld [tilespmem:s14+$0x19F70];
	_ =	sdelay $0x7  }
0xaa: {  	s22 =	simm.s32 $0x80;
	s18 =	simm.s32 $0x10;
	v1 =	vld.idx.msk [tilespmem:v1+s5+$0x0], $0xffff  }
.LBB2_13:
0xab: {  	p0 =	sne.s32 s22, $0x1F00;
	v2 =	vld [tilespmem:s18+$0x19F70];
	_ =	sdelay $0x3  }
.Ltmp5:
0xac: {  	(pc) =	sbr.rel @p0 .LBB2_13-.Ltmp5, $2  }
0xad: {  	[tilespmem:s14+$0x1DF70] =	vst v1;
	s14 =	smov.u32 s18;
	_ =	sdelay $0x2  }
0xae: {  	s18 =	sshra.s32 s22, $0x2;
	s22 =	sadd.s32 $0x40, s22;
	v1 =	vld.idx.msk [tilespmem:v2+s5+$0x0], $0xffff  }
0xaf: {  	v2 =	vld [tilespmem:s18+$0x19F70];
	_ =	sdelay $0x6  }
0xb0: {  	[tilespmem:s14+$0x1DF70] =	vst v1  }
0xb1: {  	v1 =	vld.idx.msk [tilespmem:v2+s5+$0x0], $0xffff;
	_ =	sdelay $0x4  }
0xb2: {  	[tilespmem:s18+$0x1DF70] =	vst v1  }
0xb3: {  	[spmem:s4] =	stream.indirect.scatter.add.f32 [tilespmem:s8], [sflag:$0x5], $0x1, s3, s20, $0xb8;
	[tilespmem:$0x1FF70] =	vst v63  }
0xb4: {  	_ =	swait.ge [sflag:s21], $0x7D0  }
0xb5: {  	[sflag:s21] =	ssyncset.done $0x0  }
0xb6: {  	[sflag:s21] =	ssyncadd.s32 $0xFFFFF830  }
0xb7: {  	_ =	swait.ge [sflag:s21], $0x7D0  }
0xb8: {  	[sflag:s21] =	ssyncset.done $0x0  }
0xb9: {  	[sflag:s21] =	ssyncadd.s32 $0xFFFFF830  }
0xba: {  	s10 =	sadd.s32 s17, s10;
	_ =	swait.ge [sflag:s12], $0x7D0  }
0xbb: {  	s22 =	simm.s32 $0x1B770;
	s10 =	sshrl.u32 s10, $0x3;
	[sflag:s12] =	ssyncset.done $0x0  }
0xbc: {  	s10 =	sadd.s32 s2, s10;
	s14 =	simm.s32 $0x0;
	[sflag:s12] =	ssyncadd.s32 $0xFFFFF830  }
0xbd: {  	[tilespmem:s22], [sflag:$0x4] =	stream.linear.gather [hbm4b:s10+s14], $0x7D0, $0x38;
	[tilespmem:$0x1FF70] =	vst v63  }
0xbe: {  	s10 =	sadd.s32 $0xC3500, s10  }
0xbf: {  	[tilespmem:s24], [sflag:$0x4] =	stream.linear.gather [hbm4b:s10+s14], $0x7D0, $0x38;
	[tilespmem:$0x1FF70] =	vst v63  }
0xc0: {  	s14 =	simm.s32 $0x0  }
0xc1: {  	v1 =	vld [tilespmem:s14+$0x1A770];
	_ =	sdelay $0x7  }
0xc2: {  	s18 =	simm.s32 $0x10;
	s22 =	simm.s32 $0x80;
	s10 =	sshll.u32 s15, $0x2;
	v1 =	vld.idx.msk [tilespmem:v1+s5+$0x0], $0xffff  }
.LBB2_15:
0xc3: {  	p0 =	sne.s32 s22, $0x1F00;
	v2 =	vld [tilespmem:s18+$0x1A770];
	_ =	sdelay $0x3  }
.Ltmp6:
0xc4: {  	(pc) =	sbr.rel @p0 .LBB2_15-.Ltmp6, $2  }
0xc5: {  	[tilespmem:s14+$0x1E770] =	vst v1;
	s14 =	smov.u32 s18;
	_ =	sdelay $0x2  }
0xc6: {  	s18 =	sshra.s32 s22, $0x2;
	s22 =	sadd.s32 $0x40, s22;
	v1 =	vld.idx.msk [tilespmem:v2+s5+$0x0], $0xffff  }
0xc7: {  	v2 =	vld [tilespmem:s18+$0x1A770];
	_ =	sdelay $0x6  }
0xc8: {  	[tilespmem:s14+$0x1E770] =	vst v1  }
0xc9: {  	v1 =	vld.idx.msk [tilespmem:v2+s5+$0x0], $0xffff;
	_ =	sdelay $0x4  }
0xca: {  	[tilespmem:s18+$0x1E770] =	vst v1  }
0xcb: {  	[spmem:s4] =	stream.indirect.scatter.add.f32 [tilespmem:s25], [sflag:$0x6], $0x1, s1, s20, $0xb8;
	[tilespmem:$0x1FF70] =	vst v63  }
0xcc: {  	_ =	swait.ge [sflag:s26], $0x7D0  }
0xcd: {  	[sflag:s26] =	ssyncset.done $0x0  }
0xce: {  	s22 =	sadd.s32 $0x4, s10;
	[sflag:s26] =	ssyncadd.s32 $0xFFFFF830  }
0xcf: {  	s18 =	smul.u32 $0x7D0, s22;
	_ =	swait.ge [sflag:s26], $0x7D0  }
0xd0: {  	p0 =	seq.s32 s22, $0x64;
	[sflag:s26] =	ssyncset.done $0x0  }
0xd1: {  	s18 =	simm.s32 @p0 $0x0;
	[sflag:s26] =	ssyncadd.s32 $0xFFFFF830  }
0xd2: {  	s18 =	sadd.s32 s6, s18;
	_ =	swait.ge [sflag:s28], $0x7D0  }
0xd3: {  	s14 =	sshrl.u32 s18, $0x3;
	[sflag:s28] =	ssyncset.done $0x0  }
0xd4: {  	s22 =	simm.s32 $0x0;
	s14 =	sadd.s32 s2, s14;
	[sflag:s28] =	ssyncadd.s32 $0xFFFFF830  }
0xd5: {  	[tilespmem:s31], [sflag:$0x1] =	stream.linear.gather [hbm4b:s14+s22], $0x7D0, $0x38;
	[tilespmem:$0x1FF70] =	vst v63  }
0xd6: {  	s14 =	sadd.s32 $0xC3500, s14  }
0xd7: {  	[tilespmem:s3], [sflag:$0x1] =	stream.linear.gather [hbm4b:s14+s22], $0x7D0, $0x38;
	[tilespmem:$0x1FF70] =	vst v63  }
0xd8: {  	s14 =	simm.s32 $0x0  }
0xd9: {  	v1 =	vld [tilespmem:s14+$0x1AF70];
	_ =	sdelay $0x7  }
0xda: {  	s18 =	simm.s32 $0x10;
	s22 =	simm.s32 $0x80;
	v1 =	vld.idx.msk [tilespmem:v1+s5+$0x0], $0xffff  }
.LBB2_17:
0xdb: {  	p0 =	sne.s32 s22, $0x1F00;
	v2 =	vld [tilespmem:s18+$0x1AF70];
	_ =	sdelay $0x3  }
.Ltmp7:
0xdc: {  	(pc) =	sbr.rel @p0 .LBB2_17-.Ltmp7, $2  }
0xdd: {  	[tilespmem:s14+$0x1EF70] =	vst v1;
	s14 =	smov.u32 s18;
	_ =	sdelay $0x2  }
0xde: {  	s18 =	sshra.s32 s22, $0x2;
	s22 =	sadd.s32 $0x40, s22;
	v1 =	vld.idx.msk [tilespmem:v2+s5+$0x0], $0xffff  }
0xdf: {  	v2 =	vld [tilespmem:s18+$0x1AF70];
	_ =	sdelay $0x6  }
0xe0: {  	[tilespmem:s14+$0x1EF70] =	vst v1  }
0xe1: {  	v1 =	vld.idx.msk [tilespmem:v2+s5+$0x0], $0xffff;
	_ =	sdelay $0x3  }
0xe2: {  	s10 =	sadd.s32 $0x5, s10  }
0xe3: {  	[tilespmem:s18+$0x1EF70] =	vst v1;
	s18 =	smulhi.u32 $0x51EB851F, s10  }
0xe4: {  	[spmem:s4] =	stream.indirect.scatter.add.f32 [tilespmem:s29], [sflag:$0x7], $0x1, s19, s20, $0xb8;
	[tilespmem:$0x1FF70] =	vst v63  }
0xe5: {  	_ =	swait.ge [sflag:s30], $0x7D0;
	s14 =	sshrl.u32 s18, $0x5  }
0xe6: {  	[sflag:s30] =	ssyncset.done $0x0;
	s14 =	smul.u32 $0x64, s14  }
0xe7: {  	[sflag:s30] =	ssyncadd.s32 $0xFFFFF830  }
0xe8: {  	_ =	swait.ge [sflag:s30], $0x7D0;
	s10 =	ssub.s32 s10, s14  }
0xe9: {  	[sflag:s30] =	ssyncset.done $0x0;
	s10 =	smul.u32 $0x7D0, s10  }
0xea: {  	[sflag:s30] =	ssyncadd.s32 $0xFFFFF830  }
0xeb: {  	_ =	swait.ge [sflag:s23], $0x7D0;
	s10 =	sadd.s32 s6, s10  }
0xec: {  	[sflag:s23] =	ssyncset.done $0x0;
	s10 =	sshrl.u32 s10, $0x3  }
0xed: {  	s22 =	simm.s32 $0x0;
	[sflag:s23] =	ssyncadd.s32 $0xFFFFF830;
	s10 =	sadd.s32 s2, s10  }
0xee: {  	[tilespmem:s0], [sflag:$0x2] =	stream.linear.gather [hbm4b:s10+s22], $0x7D0, $0x38;
	[tilespmem:$0x1FF70] =	vst v63  }
0xef: {  	s10 =	sadd.s32 $0xC3500, s10  }
0xf0: {  	[tilespmem:s1], [sflag:$0x2] =	stream.linear.gather [hbm4b:s10+s22], $0x7D0, $0x38;
	[tilespmem:$0x1FF70] =	vst v63  }
0xf1: {  	s10 =	simm.s32 $0x0  }
0xf2: {  	v1 =	vld [tilespmem:s10+$0x1B770];
	_ =	sdelay $0x7  }
0xf3: {  	s18 =	simm.s32 $0x80;
	s14 =	simm.s32 $0x10;
	v1 =	vld.idx.msk [tilespmem:v1+s5+$0x0], $0xffff  }
.LBB2_19:
0xf4: {  	p0 =	sne.s32 s18, $0x1F00;
	v2 =	vld [tilespmem:s14+$0x1B770];
	_ =	sdelay $0x3  }
.Ltmp8:
0xf5: {  	(pc) =	sbr.rel @p0 .LBB2_19-.Ltmp8, $2  }
0xf6: {  	[tilespmem:s10+$0x1F770] =	vst v1;
	s10 =	smov.u32 s14;
	_ =	sdelay $0x2  }
0xf7: {  	s14 =	sshra.s32 s18, $0x2;
	s18 =	sadd.s32 $0x40, s18;
	v1 =	vld.idx.msk [tilespmem:v2+s5+$0x0], $0xffff  }
0xf8: {  	v2 =	vld [tilespmem:s14+$0x1B770];
	_ =	sdelay $0x6  }
0xf9: {  	[tilespmem:s10+$0x1F770] =	vst v1  }
0xfa: {  	s15 =	sadd.s32 $0x1, s15;
	v1 =	vld.idx.msk [tilespmem:v2+s5+$0x0], $0xffff  }
0xfb: {  	p0 =	sne.s32 s15, $0x19  }
.Ltmp9:
0xfc: {  	_ = 	snop;
	(pc) =	sbr.rel @p0 .LBB2_12-.Ltmp9, $3  }
0xfd: {  	_ =	sdelay $0x1  }
0xfe: {  	[tilespmem:s14+$0x1F770] =	vst v1  }
0xff: {  	[spmem:s4] =	stream.indirect.scatter.add.f32 [tilespmem:s7], [sflag:$0x8], $0x1, s24, s20, $0xb8;
	[tilespmem:$0x1FF70] =	vst v63  }
0x100: {  	_ =	swait.ge [sflag:s16], $0x7D0  }
0x101: {  	[sflag:s16] =	ssyncset.done $0x0  }
0x102: {  	[sflag:s16] =	ssyncadd.s32 $0xFFFFF830  }
0x103: {  	_ =	swait.ge [sflag:s16], $0x7D0  }
0x104: {  	[sflag:s16] =	ssyncset.done $0x0  }
0x105: {  	[sflag:s16] =	ssyncadd.s32 $0xFFFFF830  }
0x106: {  	_ =	swait.ge [sflag:s21], $0x7D0  }
0x107: {  	[sflag:s21] =	ssyncset.done $0x0  }
0x108: {  	[sflag:s21] =	ssyncadd.s32 $0xFFFFF830  }
0x109: {  	_ =	swait.ge [sflag:s21], $0x7D0  }
0x10a: {  	[sflag:s21] =	ssyncset.done $0x0  }
0x10b: {  	[sflag:s21] =	ssyncadd.s32 $0xFFFFF830  }
0x10c: {  	_ =	swait.ge [sflag:s11], $0x7D0  }
0x10d: {  	[sflag:s11] =	ssyncset.done $0x0  }
0x10e: {  	[sflag:s11] =	ssyncadd.s32 $0xFFFFF830  }
0x10f: {  	_ =	swait.ge [sflag:s12], $0x7D0  }
0x110: {  	[sflag:s12] =	ssyncset.done $0x0  }
0x111: {  	[sflag:s12] =	ssyncadd.s32 $0xFFFFF830  }
0x112: {  	[bflag:$0x0] =	sbarrier.arrive $0xFFFF  }
0x113: {  	s15 =	rddreg [dreg:$0x8]  }
0x114: {  	[tilespmem:s8], [sflag:$0xA] =	stream.linear.gather [spmem:s15], $0x7D0, $0x38;
	[tilespmem:$0x1FF70] =	vst v63  }
0x115: {  	_ =	swait.ge [sflag:s9], $0x7D0  }
0x116: {  	[sflag:s9] =	ssyncset.done $0x0  }
0x117: {  	s10 =	rddreg [dreg:$0x13];
	[sflag:s9] =	ssyncadd.s32 $0xFFFFF830  }
0x118: {  	[hbm4b:s10+s5] =	stream.linear.scatter [tilespmem:s8], [sflag:$0xA], $0x7D0, $0x38;
	[tilespmem:$0x1FF70] =	vst v63  }
0x119: {  	_ =	swait.ge [sflag:s9], $0x7D0  }
0x11a: {  	[sflag:s9] =	ssyncset.done $0x0  }
0x11b: {  	s18 =	rddreg [dreg:$0xa];
	[sflag:s9] =	ssyncadd.s32 $0xFFFFF830  }
0x11c: {  	[tilespmem:s8], [sflag:$0xA] =	stream.linear.gather [spmem:s18], $0x7D0, $0x38;
	[tilespmem:$0x1FF70] =	vst v63  }
0x11d: {  	_ =	swait.ge [sflag:s9], $0x7D0  }
0x11e: {  	[sflag:s9] =	ssyncset.done $0x0  }
0x11f: {  	s22 =	rddreg [dreg:$0x17];
	[sflag:s9] =	ssyncadd.s32 $0xFFFFF830  }
0x120: {  	[hbm4b:s22+s5] =	stream.linear.scatter [tilespmem:s8], [sflag:$0xA], $0x7D0, $0x38;
	[tilespmem:$0x1FF70] =	vst v63  }
0x121: {  	_ =	swait.ge [sflag:s9], $0x7D0  }
0x122: {  	[sflag:s9] =	ssyncset.done $0x0  }
0x123: {  	s22 =	rddreg [dreg:$0xb];
	[sflag:s9] =	ssyncadd.s32 $0xFFFFF830  }
0x124: {  	[tilespmem:s8], [sflag:$0xA] =	stream.linear.gather [spmem:s22], $0x7D0, $0x38;
	[tilespmem:$0x1FF70] =	vst v63  }
0x125: {  	_ =	swait.ge [sflag:s9], $0x7D0  }
0x126: {  	[sflag:s9] =	ssyncset.done $0x0  }
0x127: {  	s14 =	rddreg [dreg:$0x18];
	[sflag:s9] =	ssyncadd.s32 $0xFFFFF830  }
0x128: {  	[hbm4b:s14+s5] =	stream.linear.scatter [tilespmem:s8], [sflag:$0xA], $0x7D0, $0x38;
	[tilespmem:$0x1FF70] =	vst v63  }
0x129: {  	_ =	swait.ge [sflag:s9], $0x7D0  }
0x12a: {  	[sflag:s9] =	ssyncset.done $0x0  }
0x12b: {  	s14 =	rddreg [dreg:$0xc];
	[sflag:s9] =	ssyncadd.s32 $0xFFFFF830  }
0x12c: {  	[tilespmem:s8], [sflag:$0xA] =	stream.linear.gather [spmem:s14], $0x100, $0x38;
	[tilespmem:$0x1FF70] =	vst v63  }
0x12d: {  	_ =	swait.ge [sflag:s9], $0x100  }
0x12e: {  	[sflag:s9] =	ssyncset.done $0x0  }
0x12f: {  	s14 =	rddreg [dreg:$0x19];
	[sflag:s9] =	ssyncadd.s32 $0xFFFFFF00  }
0x130: {  	[hbm4b:s14+s5] =	stream.linear.scatter [tilespmem:s8], [sflag:$0xA], $0x100, $0x38;
	[tilespmem:$0x1FF70] =	vst v63  }
0x131: {  	_ =	swait.ge [sflag:s9], $0x100  }
0x132: {  	s14 =	rddreg [dreg:$0x1a]  }
0x133: {  	s10 =	rddreg [dreg:$0x15];
	s14 =	sadd.s32 $0x1, s14  }
0x134: {  	p0 =	sne.s32 s14, s10  }
.Ltmp10:
0x135: {  	_ = 	snop;
	(pc) =	sbr.rel @p0 .LBB2_1-.Ltmp10, $3  }
0x136: {  	_ =	sdelay $0x1  }
0x137: {  	[sflag:s9] =	ssyncset.done $0x0  }
0x138: {  	[sflag:s9] =	ssyncadd.s32 $0xFFFFFF00  }
0x139: {  	_ =	sfence.sel $0x180000  }
0x13a: {  	[bflag:$0x0] =	sbarrier.arrive $0xFFFF  }
0x13b: {  	_ =	strace $0x90000047  }
0x13c: {  	s0 =	stileid.u32;
	[bflag:$0x2] =	sbarrier.arrive $0xFFFF  }
0x13d: {  	p0 =	sne.s32 s0, $0x0;
	s0 =	rddreg [dreg:$0x4]  }
0x13e: {  	s0 =	sadd.s32 @!p0 $0x100000, s0  }
0x13f: {  	[sflag:s0] =	ssyncadd.tile.s32 @!p0 $0x1;
	_ =	shalt  }
.Lfunc_end2:
_tile_overlayer_lowered:
.L_overlay_start_2:
0x140: {  	(tag) =	ssettag $0x2  }
0x141: {  	s0 =	rddreg [dreg:$0x0];
	s2 =	stileid.u32  }
0x142: {  	s1 =	rddreg [dreg:$0x1];
	p0 =	sne.s32 s2, $0x0  }
0x143: {  	s3 =	rddreg [dreg:$0x2];
	[bflag:$0x3] =	sbarrier.arrive $0xFFFF;
	s2 =	simm.s32 @!p0 $0x1C0A  }
0x144: {  	[timem:s3], [sflag:s2] =	dma.local @!p0 [hbm:s0], s1  }
0x145: {  	s0 =	simm.s32 @!p0 $0xA  }
0x146: {  	_ =	swait.ge @!p0 [sflag:s0], s1  }
0x147: {  	s1 =	ssub.s32 @!p0 $0x0, s1;
	[sflag:s0] =	ssyncset.done @!p0 $0x0  }
0x148: {  	[sflag:s0] =	ssyncadd.s32 @!p0 s1  }
0x149: {  	[bflag:$0x3] =	sbarrier.arrive $0xFFFF  }
0x14a: {  	_ =	shalt  }

</sc_bundles>
